<compile_context>
chip_gen: v7x
topology: tpu7x:2x2x1
jax: 0.10.2.dev20260603
libtpu: 0.0.44.dev20260713+nightly
codegen_flags: <defaults>
</compile_context>

<pallas_src>
import functools

import jax
import jax.numpy as jnp
from jax import lax
from jax.experimental import pallas as pl
from jax.experimental.pallas import tpu as pltpu
from jax.experimental.pallas import tpu_sc as plsc

EMBED = 64


@functools.cache
def _make_gather(B: int):
    info = plsc.get_sparse_core_info()
    NC, NS = info.num_cores, info.num_subcores
    NW = NC * NS
    b_per_w = B // NW
    C = 128
    NBUF = 8
    n_chunks = b_per_w // C
    n_groups = n_chunks // NBUF
    mesh = plsc.VectorSubcoreMesh(core_axis_name="c", subcore_axis_name="s")

    scratch = [
        pltpu.VMEM((NBUF, C), jnp.int32),
        pltpu.VMEM((NBUF, C, EMBED), jnp.float32),
    ] + [pltpu.SemaphoreType.DMA] * (3 * NBUF)

    @functools.partial(
        pl.kernel,
        mesh=mesh,
        out_type=jax.ShapeDtypeStruct((B, EMBED), jnp.float32),
        scratch_types=scratch,
        compiler_params=pltpu.CompilerParams(use_tc_tiling_on_sc=False),
    )
    def gather_kernel(idx_hbm, table_hbm, out_hbm, idx_v, rows_v, *sems):
        isem = sems[:NBUF]
        gsem = sems[NBUF:2 * NBUF]
        osem = sems[2 * NBUF:]
        wid = lax.axis_index("s") * NC + lax.axis_index("c")
        base = wid * b_per_w

        def start_idx(g, b):
            off = base + (g * NBUF + b) * C
            pltpu.async_copy(idx_hbm.at[pl.ds(off, C)], idx_v.at[b], isem[b])

        def wait_idx(b):
            pltpu.make_async_copy(
                idx_hbm.at[pl.ds(0, C)], idx_v.at[b], isem[b]).wait()

        def start_gather(b):
            pltpu.async_copy(table_hbm.at[idx_v.at[b]], rows_v.at[b], gsem[b])

        def wait_gather(b):
            pltpu.make_async_copy(
                table_hbm.at[idx_v.at[b]], rows_v.at[b], gsem[b]).wait()

        def start_out(g, b):
            off = base + (g * NBUF + b) * C
            pltpu.async_copy(rows_v.at[b], out_hbm.at[pl.ds(off, C)], osem[b])

        def wait_out(b):
            pltpu.make_async_copy(
                rows_v.at[b], out_hbm.at[pl.ds(0, C)], osem[b]).wait()

        for b in range(NBUF):
            start_idx(0, b)

        def group(g, carry):
            for b in range(NBUF):
                wait_idx(b)

                @pl.when(g > 0)
                def _():
                    wait_out(b)

                start_gather(b)
            for b in range(NBUF):
                wait_gather(b)
                start_out(g, b)

                @pl.when(g < n_groups - 1)
                def _():
                    start_idx(g + 1, b)

            return carry

        lax.fori_loop(0, n_groups, group, 0)
        for b in range(NBUF):
            wait_out(b)

    return gather_kernel


def kernel(input_ids, attention_mask, table):
    B, S = input_ids.shape
    ids_flat = input_ids.reshape(B * S).astype(jnp.int32)
    rows = _make_gather(B * S)(ids_flat, table)
    return rows.reshape(B, S, EMBED), attention_mask

# --- scband reference (transcript-rebuilt; emitter-appended) ---
"""Pipeline reference for scband-word-embedding-31653908972061 (READ-ONLY COPY).

The authoritative reference and input builder live on the scoring server;
editing this copy changes nothing except your own understanding.
"""

import jax, jax.numpy as jnp
import numpy as np

VOCAB_SIZE = 30522  # bert-base-uncased tokenizer vocab size
D_MODEL = 128       # max_length / padded sequence length
EMBED_DIM = 64
BATCH = 4096


def setup_inputs(seed: int = 0) -> dict:
    key = jax.random.key(seed)
    k1, k2 = jax.random.split(key)
    input_ids = jax.random.randint(k1, (BATCH, D_MODEL), 0, VOCAB_SIZE, dtype=jnp.int64 if jax.config.jax_enable_x64 else jnp.int32)
    attention_mask = jnp.ones((BATCH, D_MODEL), dtype=jnp.int32)
    # Embedding table param, sized per init_kwargs (vocab fixed by BERT tokenizer)
    table = jax.random.normal(k2, (VOCAB_SIZE, EMBED_DIM), dtype=jnp.float32) * 0.02
    return {"input_ids": input_ids, "attention_mask": attention_mask, "table": table}


def reference(input_ids, attention_mask, table):
    # Faithful to WordEmbedding.call: tokenization is pre-materialized as
    # padded input_ids + attention_mask; the layer body is an embedding lookup.
    vector_matrix = jnp.take(table, input_ids, axis=0)  # [B, d_model, embed_dim]
    return (vector_matrix, attention_mask)

if __name__ == "__main__":
    import jax
    _d = setup_inputs()
    print(jax.jit(kernel)(*tuple(_d.values())))

</pallas_src>

<mosaic_0001>
#map = affine_map<(d0, d1) -> (0)>
#map1 = affine_map<(d0, d1) -> (0, 0)>
module attributes {stable_mosaic.version = 14 : i64} {
  func.func @gather_kernel(%arg0: i32, %arg1: i32, %arg2: memref<524288xi32, #tpu.memory_space<hbm>>, %arg3: memref<30522x64xf32, #tpu.memory_space<hbm>>, %arg4: memref<524288x64xf32, #tpu.memory_space<hbm>>, %arg5: memref<8x128xi32, #tpu.memory_space<vmem>>, %arg6: memref<8x128x64xf32, #tpu.memory_space<vmem>>, %arg7: memref<!tpu.dma_semaphore, #tpu.memory_space<semaphore_mem>>, %arg8: memref<!tpu.dma_semaphore, #tpu.memory_space<semaphore_mem>>, %arg9: memref<!tpu.dma_semaphore, #tpu.memory_space<semaphore_mem>>, %arg10: memref<!tpu.dma_semaphore, #tpu.memory_space<semaphore_mem>>, %arg11: memref<!tpu.dma_semaphore, #tpu.memory_space<semaphore_mem>>, %arg12: memref<!tpu.dma_semaphore, #tpu.memory_space<semaphore_mem>>, %arg13: memref<!tpu.dma_semaphore, #tpu.memory_space<semaphore_mem>>, %arg14: memref<!tpu.dma_semaphore, #tpu.memory_space<semaphore_mem>>, %arg15: memref<!tpu.dma_semaphore, #tpu.memory_space<semaphore_mem>>, %arg16: memref<!tpu.dma_semaphore, #tpu.memory_space<semaphore_mem>>, %arg17: memref<!tpu.dma_semaphore, #tpu.memory_space<semaphore_mem>>, %arg18: memref<!tpu.dma_semaphore, #tpu.memory_space<semaphore_mem>>, %arg19: memref<!tpu.dma_semaphore, #tpu.memory_space<semaphore_mem>>, %arg20: memref<!tpu.dma_semaphore, #tpu.memory_space<semaphore_mem>>, %arg21: memref<!tpu.dma_semaphore, #tpu.memory_space<semaphore_mem>>, %arg22: memref<!tpu.dma_semaphore, #tpu.memory_space<semaphore_mem>>, %arg23: memref<!tpu.dma_semaphore, #tpu.memory_space<semaphore_mem>>, %arg24: memref<!tpu.dma_semaphore, #tpu.memory_space<semaphore_mem>>, %arg25: memref<!tpu.dma_semaphore, #tpu.memory_space<semaphore_mem>>, %arg26: memref<!tpu.dma_semaphore, #tpu.memory_space<semaphore_mem>>, %arg27: memref<!tpu.dma_semaphore, #tpu.memory_space<semaphore_mem>>, %arg28: memref<!tpu.dma_semaphore, #tpu.memory_space<semaphore_mem>>, %arg29: memref<!tpu.dma_semaphore, #tpu.memory_space<semaphore_mem>>, %arg30: memref<!tpu.dma_semaphore, #tpu.memory_space<semaphore_mem>>) attributes {dimension_semantics = [#tpu.dimension_semantics<core_parallel>, #tpu.dimension_semantics<subcore_parallel>], iteration_bounds = array<i64: 2, 16>, scalar_prefetch = 0 : i64, scratch_operands = 26 : i64, tpu.core_type = #tpu.core_type<sc_vector_subcore>, window_params = [{transform_indices = #map}, {transform_indices = #map1}, {transform_indices = #map1}]} {
    %mul3A = arith.constant 2 : i32
    %mul3A_0 = arith.muli %arg1, %mul3A : i32
    %add3A = arith.addi %mul3A_0, %arg0 : i32
    %mul3A_1 = arith.constant 16384 : i32
    %mul3A_2 = arith.muli %add3A, %mul3A_1 : i32
    %add3A_3 = arith.constant 0 : i32
    %add3A_4 = arith.addi %mul3A_2, %add3A_3 : i32
    %dma_start3A = arith.constant 0 : i32
    %dma_start3A_5 = arith.constant 0 : i32
    %dma_start3A_6 = tpu.memref_slice %arg5[%dma_start3A, %dma_start3A_5] : memref<8x128xi32, #tpu.memory_space<vmem>> -> memref<1x128xi32, #tpu.memory_space<vmem>>
    %dma_start3A_7 = tpu.memref_squeeze %dma_start3A_6 : memref<1x128xi32, #tpu.memory_space<vmem>> -> memref<128xi32, #tpu.memory_space<vmem>>
    %dma_start3A_8 = tpu.memref_slice %arg2[%add3A_4] : memref<524288xi32, #tpu.memory_space<hbm>> -> memref<128xi32, #tpu.memory_space<hbm>>
    %dma_start3A_9 = arith.constant 0 : i32
    %dma_start3A_10 = tpu.memref_slice %arg5[%dma_start3A, %dma_start3A_9] : memref<8x128xi32, #tpu.memory_space<vmem>> -> memref<1x128xi32, #tpu.memory_space<vmem>>
    %dma_start3A_11 = tpu.memref_squeeze %dma_start3A_10 : memref<1x128xi32, #tpu.memory_space<vmem>> -> memref<128xi32, #tpu.memory_space<vmem>>
    %dma_start3A_12 = tpu.memref_slice %arg2[%add3A_4] : memref<524288xi32, #tpu.memory_space<hbm>> -> memref<128xi32, #tpu.memory_space<hbm>>
    tpu.enqueue_dma source(%dma_start3A_12 : memref<128xi32, #tpu.memory_space<hbm>>) target(%dma_start3A_11 : memref<128xi32, #tpu.memory_space<vmem>>) target_semaphore(%arg7 : memref<!tpu.dma_semaphore, #tpu.memory_space<semaphore_mem>>)
    %add3A_13 = arith.constant 128 : i32
    %add3A_14 = arith.addi %mul3A_2, %add3A_13 : i32
    %dma_start3A_15 = arith.constant 1 : i32
    %dma_start3A_16 = arith.constant 0 : i32
    %dma_start3A_17 = tpu.memref_slice %arg5[%dma_start3A_15, %dma_start3A_16] : memref<8x128xi32, #tpu.memory_space<vmem>> -> memref<1x128xi32, #tpu.memory_space<vmem>>
    %dma_start3A_18 = tpu.memref_squeeze %dma_start3A_17 : memref<1x128xi32, #tpu.memory_space<vmem>> -> memref<128xi32, #tpu.memory_space<vmem>>
    %dma_start3A_19 = tpu.memref_slice %arg2[%add3A_14] : memref<524288xi32, #tpu.memory_space<hbm>> -> memref<128xi32, #tpu.memory_space<hbm>>
    %dma_start3A_20 = arith.constant 0 : i32
    %dma_start3A_21 = tpu.memref_slice %arg5[%dma_start3A_15, %dma_start3A_20] : memref<8x128xi32, #tpu.memory_space<vmem>> -> memref<1x128xi32, #tpu.memory_space<vmem>>
    %dma_start3A_22 = tpu.memref_squeeze %dma_start3A_21 : memref<1x128xi32, #tpu.memory_space<vmem>> -> memref<128xi32, #tpu.memory_space<vmem>>
    %dma_start3A_23 = tpu.memref_slice %arg2[%add3A_14] : memref<524288xi32, #tpu.memory_space<hbm>> -> memref<128xi32, #tpu.memory_space<hbm>>
    tpu.enqueue_dma source(%dma_start3A_23 : memref<128xi32, #tpu.memory_space<hbm>>) target(%dma_start3A_22 : memref<128xi32, #tpu.memory_space<vmem>>) target_semaphore(%arg8 : memref<!tpu.dma_semaphore, #tpu.memory_space<semaphore_mem>>)
    %add3A_24 = arith.constant 256 : i32
    %add3A_25 = arith.addi %mul3A_2, %add3A_24 : i32
    %dma_start3A_26 = arith.constant 2 : i32
    %dma_start3A_27 = arith.constant 0 : i32
    %dma_start3A_28 = tpu.memref_slice %arg5[%dma_start3A_26, %dma_start3A_27] : memref<8x128xi32, #tpu.memory_space<vmem>> -> memref<1x128xi32, #tpu.memory_space<vmem>>
    %dma_start3A_29 = tpu.memref_squeeze %dma_start3A_28 : memref<1x128xi32, #tpu.memory_space<vmem>> -> memref<128xi32, #tpu.memory_space<vmem>>
    %dma_start3A_30 = tpu.memref_slice %arg2[%add3A_25] : memref<524288xi32, #tpu.memory_space<hbm>> -> memref<128xi32, #tpu.memory_space<hbm>>
    %dma_start3A_31 = arith.constant 0 : i32
    %dma_start3A_32 = tpu.memref_slice %arg5[%dma_start3A_26, %dma_start3A_31] : memref<8x128xi32, #tpu.memory_space<vmem>> -> memref<1x128xi32, #tpu.memory_space<vmem>>
    %dma_start3A_33 = tpu.memref_squeeze %dma_start3A_32 : memref<1x128xi32, #tpu.memory_space<vmem>> -> memref<128xi32, #tpu.memory_space<vmem>>
    %dma_start3A_34 = tpu.memref_slice %arg2[%add3A_25] : memref<524288xi32, #tpu.memory_space<hbm>> -> memref<128xi32, #tpu.memory_space<hbm>>
    tpu.enqueue_dma source(%dma_start3A_34 : memref<128xi32, #tpu.memory_space<hbm>>) target(%dma_start3A_33 : memref<128xi32, #tpu.memory_space<vmem>>) target_semaphore(%arg9 : memref<!tpu.dma_semaphore, #tpu.memory_space<semaphore_mem>>)
    %add3A_35 = arith.constant 384 : i32
    %add3A_36 = arith.addi %mul3A_2, %add3A_35 : i32
    %dma_start3A_37 = arith.constant 3 : i32
    %dma_start3A_38 = arith.constant 0 : i32
    %dma_start3A_39 = tpu.memref_slice %arg5[%dma_start3A_37, %dma_start3A_38] : memref<8x128xi32, #tpu.memory_space<vmem>> -> memref<1x128xi32, #tpu.memory_space<vmem>>
    %dma_start3A_40 = tpu.memref_squeeze %dma_start3A_39 : memref<1x128xi32, #tpu.memory_space<vmem>> -> memref<128xi32, #tpu.memory_space<vmem>>
    %dma_start3A_41 = tpu.memref_slice %arg2[%add3A_36] : memref<524288xi32, #tpu.memory_space<hbm>> -> memref<128xi32, #tpu.memory_space<hbm>>
    %dma_start3A_42 = arith.constant 0 : i32
    %dma_start3A_43 = tpu.memref_slice %arg5[%dma_start3A_37, %dma_start3A_42] : memref<8x128xi32, #tpu.memory_space<vmem>> -> memref<1x128xi32, #tpu.memory_space<vmem>>
    %dma_start3A_44 = tpu.memref_squeeze %dma_start3A_43 : memref<1x128xi32, #tpu.memory_space<vmem>> -> memref<128xi32, #tpu.memory_space<vmem>>
    %dma_start3A_45 = tpu.memref_slice %arg2[%add3A_36] : memref<524288xi32, #tpu.memory_space<hbm>> -> memref<128xi32, #tpu.memory_space<hbm>>
    tpu.enqueue_dma source(%dma_start3A_45 : memref<128xi32, #tpu.memory_space<hbm>>) target(%dma_start3A_44 : memref<128xi32, #tpu.memory_space<vmem>>) target_semaphore(%arg10 : memref<!tpu.dma_semaphore, #tpu.memory_space<semaphore_mem>>)
    %add3A_46 = arith.constant 512 : i32
    %add3A_47 = arith.addi %mul3A_2, %add3A_46 : i32
    %dma_start3A_48 = arith.constant 4 : i32
    %dma_start3A_49 = arith.constant 0 : i32
    %dma_start3A_50 = tpu.memref_slice %arg5[%dma_start3A_48, %dma_start3A_49] : memref<8x128xi32, #tpu.memory_space<vmem>> -> memref<1x128xi32, #tpu.memory_space<vmem>>
    %dma_start3A_51 = tpu.memref_squeeze %dma_start3A_50 : memref<1x128xi32, #tpu.memory_space<vmem>> -> memref<128xi32, #tpu.memory_space<vmem>>
    %dma_start3A_52 = tpu.memref_slice %arg2[%add3A_47] : memref<524288xi32, #tpu.memory_space<hbm>> -> memref<128xi32, #tpu.memory_space<hbm>>
    %dma_start3A_53 = arith.constant 0 : i32
    %dma_start3A_54 = tpu.memref_slice %arg5[%dma_start3A_48, %dma_start3A_53] : memref<8x128xi32, #tpu.memory_space<vmem>> -> memref<1x128xi32, #tpu.memory_space<vmem>>
    %dma_start3A_55 = tpu.memref_squeeze %dma_start3A_54 : memref<1x128xi32, #tpu.memory_space<vmem>> -> memref<128xi32, #tpu.memory_space<vmem>>
    %dma_start3A_56 = tpu.memref_slice %arg2[%add3A_47] : memref<524288xi32, #tpu.memory_space<hbm>> -> memref<128xi32, #tpu.memory_space<hbm>>
    tpu.enqueue_dma source(%dma_start3A_56 : memref<128xi32, #tpu.memory_space<hbm>>) target(%dma_start3A_55 : memref<128xi32, #tpu.memory_space<vmem>>) target_semaphore(%arg11 : memref<!tpu.dma_semaphore, #tpu.memory_space<semaphore_mem>>)
    %add3A_57 = arith.constant 640 : i32
    %add3A_58 = arith.addi %mul3A_2, %add3A_57 : i32
    %dma_start3A_59 = arith.constant 5 : i32
    %dma_start3A_60 = arith.constant 0 : i32
    %dma_start3A_61 = tpu.memref_slice %arg5[%dma_start3A_59, %dma_start3A_60] : memref<8x128xi32, #tpu.memory_space<vmem>> -> memref<1x128xi32, #tpu.memory_space<vmem>>
    %dma_start3A_62 = tpu.memref_squeeze %dma_start3A_61 : memref<1x128xi32, #tpu.memory_space<vmem>> -> memref<128xi32, #tpu.memory_space<vmem>>
    %dma_start3A_63 = tpu.memref_slice %arg2[%add3A_58] : memref<524288xi32, #tpu.memory_space<hbm>> -> memref<128xi32, #tpu.memory_space<hbm>>
    %dma_start3A_64 = arith.constant 0 : i32
    %dma_start3A_65 = tpu.memref_slice %arg5[%dma_start3A_59, %dma_start3A_64] : memref<8x128xi32, #tpu.memory_space<vmem>> -> memref<1x128xi32, #tpu.memory_space<vmem>>
    %dma_start3A_66 = tpu.memref_squeeze %dma_start3A_65 : memref<1x128xi32, #tpu.memory_space<vmem>> -> memref<128xi32, #tpu.memory_space<vmem>>
    %dma_start3A_67 = tpu.memref_slice %arg2[%add3A_58] : memref<524288xi32, #tpu.memory_space<hbm>> -> memref<128xi32, #tpu.memory_space<hbm>>
    tpu.enqueue_dma source(%dma_start3A_67 : memref<128xi32, #tpu.memory_space<hbm>>) target(%dma_start3A_66 : memref<128xi32, #tpu.memory_space<vmem>>) target_semaphore(%arg12 : memref<!tpu.dma_semaphore, #tpu.memory_space<semaphore_mem>>)
    %add3A_68 = arith.constant 768 : i32
    %add3A_69 = arith.addi %mul3A_2, %add3A_68 : i32
    %dma_start3A_70 = arith.constant 6 : i32
    %dma_start3A_71 = arith.constant 0 : i32
    %dma_start3A_72 = tpu.memref_slice %arg5[%dma_start3A_70, %dma_start3A_71] : memref<8x128xi32, #tpu.memory_space<vmem>> -> memref<1x128xi32, #tpu.memory_space<vmem>>
    %dma_start3A_73 = tpu.memref_squeeze %dma_start3A_72 : memref<1x128xi32, #tpu.memory_space<vmem>> -> memref<128xi32, #tpu.memory_space<vmem>>
    %dma_start3A_74 = tpu.memref_slice %arg2[%add3A_69] : memref<524288xi32, #tpu.memory_space<hbm>> -> memref<128xi32, #tpu.memory_space<hbm>>
    %dma_start3A_75 = arith.constant 0 : i32
    %dma_start3A_76 = tpu.memref_slice %arg5[%dma_start3A_70, %dma_start3A_75] : memref<8x128xi32, #tpu.memory_space<vmem>> -> memref<1x128xi32, #tpu.memory_space<vmem>>
    %dma_start3A_77 = tpu.memref_squeeze %dma_start3A_76 : memref<1x128xi32, #tpu.memory_space<vmem>> -> memref<128xi32, #tpu.memory_space<vmem>>
    %dma_start3A_78 = tpu.memref_slice %arg2[%add3A_69] : memref<524288xi32, #tpu.memory_space<hbm>> -> memref<128xi32, #tpu.memory_space<hbm>>
    tpu.enqueue_dma source(%dma_start3A_78 : memref<128xi32, #tpu.memory_space<hbm>>) target(%dma_start3A_77 : memref<128xi32, #tpu.memory_space<vmem>>) target_semaphore(%arg13 : memref<!tpu.dma_semaphore, #tpu.memory_space<semaphore_mem>>)
    %add3A_79 = arith.constant 896 : i32
    %add3A_80 = arith.addi %mul3A_2, %add3A_79 : i32
    %dma_start3A_81 = arith.constant 7 : i32
    %dma_start3A_82 = arith.constant 0 : i32
    %dma_start3A_83 = tpu.memref_slice %arg5[%dma_start3A_81, %dma_start3A_82] : memref<8x128xi32, #tpu.memory_space<vmem>> -> memref<1x128xi32, #tpu.memory_space<vmem>>
    %dma_start3A_84 = tpu.memref_squeeze %dma_start3A_83 : memref<1x128xi32, #tpu.memory_space<vmem>> -> memref<128xi32, #tpu.memory_space<vmem>>
    %dma_start3A_85 = tpu.memref_slice %arg2[%add3A_80] : memref<524288xi32, #tpu.memory_space<hbm>> -> memref<128xi32, #tpu.memory_space<hbm>>
    %dma_start3A_86 = arith.constant 0 : i32
    %dma_start3A_87 = tpu.memref_slice %arg5[%dma_start3A_81, %dma_start3A_86] : memref<8x128xi32, #tpu.memory_space<vmem>> -> memref<1x128xi32, #tpu.memory_space<vmem>>
    %dma_start3A_88 = tpu.memref_squeeze %dma_start3A_87 : memref<1x128xi32, #tpu.memory_space<vmem>> -> memref<128xi32, #tpu.memory_space<vmem>>
    %dma_start3A_89 = tpu.memref_slice %arg2[%add3A_80] : memref<524288xi32, #tpu.memory_space<hbm>> -> memref<128xi32, #tpu.memory_space<hbm>>
    tpu.enqueue_dma source(%dma_start3A_89 : memref<128xi32, #tpu.memory_space<hbm>>) target(%dma_start3A_88 : memref<128xi32, #tpu.memory_space<vmem>>) target_semaphore(%arg14 : memref<!tpu.dma_semaphore, #tpu.memory_space<semaphore_mem>>)
    %scan3A = arith.constant 0 : i32
    %scan3A_90 = arith.constant 0 : i32
    %scan3A_91 = arith.constant 16 : i32
    %scan3A_92 = arith.addi %scan3A_90, %scan3A_91 : i32
    %scan3A_93 = arith.constant 1 : i32
    scf.for %scan3A_214 = %scan3A_90 to %scan3A_92 step %scan3A_93  : i32 {
      %dma_wait3A_215 = arith.constant 0 : i32
      %dma_wait3A_216 = arith.constant 0 : i32
      %dma_wait3A_217 = tpu.memref_slice %arg5[%dma_wait3A_215, %dma_wait3A_216] : memref<8x128xi32, #tpu.memory_space<vmem>> -> memref<1x128xi32, #tpu.memory_space<vmem>>
      %dma_wait3A_218 = tpu.memref_squeeze %dma_wait3A_217 : memref<1x128xi32, #tpu.memory_space<vmem>> -> memref<128xi32, #tpu.memory_space<vmem>>
      %dma_wait3A_219 = arith.constant 0 : i32
      %dma_wait3A_220 = tpu.memref_slice %arg2[%dma_wait3A_219] : memref<524288xi32, #tpu.memory_space<hbm>> -> memref<128xi32, #tpu.memory_space<hbm>>
      %dma_wait3A_221 = arith.constant 0 : i32
      %dma_wait3A_222 = tpu.memref_slice %arg5[%dma_wait3A_215, %dma_wait3A_221] : memref<8x128xi32, #tpu.memory_space<vmem>> -> memref<1x128xi32, #tpu.memory_space<vmem>>
      %dma_wait3A_223 = tpu.memref_squeeze %dma_wait3A_222 : memref<1x128xi32, #tpu.memory_space<vmem>> -> memref<128xi32, #tpu.memory_space<vmem>>
      %dma_wait3A_224 = arith.constant 0 : i32
      %dma_wait3A_225 = tpu.memref_slice %arg2[%dma_wait3A_224] : memref<524288xi32, #tpu.memory_space<hbm>> -> memref<128xi32, #tpu.memory_space<hbm>>
      tpu.wait_dma2 semaphore(%arg7 : memref<!tpu.dma_semaphore, #tpu.memory_space<semaphore_mem>>) src(%dma_wait3A_225 : memref<128xi32, #tpu.memory_space<hbm>>) dst(%dma_wait3A_223 : memref<128xi32, #tpu.memory_space<vmem>>)
      %gt3A = arith.constant 0 : i32
      %gt3A_226 = arith.cmpi sgt, %scan3A_214, %gt3A : i32
      %convert_element_type3A = arith.extui %gt3A_226 : i1 to i32
      %cond3A = arith.constant 0 : i32
      %cond3A_227 = arith.cmpi ne, %convert_element_type3A, %cond3A : i32
      scf.if %cond3A_227 {
        %dma_wait3A_731 = arith.constant 0 : i32
        %dma_wait3A_732 = arith.constant 0 : i32
        %dma_wait3A_733 = arith.constant 0 : i32
        %dma_wait3A_734 = tpu.memref_slice %arg6[%dma_wait3A_731, %dma_wait3A_732, %dma_wait3A_733] : memref<8x128x64xf32, #tpu.memory_space<vmem>> -> memref<1x128x64xf32, #tpu.memory_space<vmem>>
        %dma_wait3A_735 = tpu.memref_squeeze %dma_wait3A_734 : memref<1x128x64xf32, #tpu.memory_space<vmem>> -> memref<128x64xf32, #tpu.memory_space<vmem>>
        %dma_wait3A_736 = arith.constant 0 : i32
        %dma_wait3A_737 = arith.constant 0 : i32
        %dma_wait3A_738 = tpu.memref_slice %arg4[%dma_wait3A_736, %dma_wait3A_737] : memref<524288x64xf32, #tpu.memory_space<hbm>> -> memref<128x64xf32, #tpu.memory_space<hbm>>
        %dma_wait3A_739 = arith.constant 0 : i32
        %dma_wait3A_740 = arith.constant 0 : i32
        %dma_wait3A_741 = tpu.memref_slice %arg4[%dma_wait3A_739, %dma_wait3A_740] : memref<524288x64xf32, #tpu.memory_space<hbm>> -> memref<128x64xf32, #tpu.memory_space<hbm>>
        %dma_wait3A_742 = arith.constant 0 : i32
        %dma_wait3A_743 = arith.constant 0 : i32
        %dma_wait3A_744 = tpu.memref_slice %arg6[%dma_wait3A_731, %dma_wait3A_742, %dma_wait3A_743] : memref<8x128x64xf32, #tpu.memory_space<vmem>> -> memref<1x128x64xf32, #tpu.memory_space<vmem>>
        %dma_wait3A_745 = tpu.memref_squeeze %dma_wait3A_744 : memref<1x128x64xf32, #tpu.memory_space<vmem>> -> memref<128x64xf32, #tpu.memory_space<vmem>>
        tpu.wait_dma2 semaphore(%arg23 : memref<!tpu.dma_semaphore, #tpu.memory_space<semaphore_mem>>) src(%dma_wait3A_745 : memref<128x64xf32, #tpu.memory_space<vmem>>) dst(%dma_wait3A_741 : memref<128x64xf32, #tpu.memory_space<hbm>>)
      } else {
      }
      %dma_start3A_228 = arith.constant 0 : i32
      %dma_start3A_229 = arith.constant 0 : i32
      %dma_start3A_230 = arith.constant 0 : i32
      %dma_start3A_231 = arith.constant 0 : i32
      %dma_start3A_232 = tpu.memref_slice %arg6[%dma_start3A_229, %dma_start3A_230, %dma_start3A_231] : memref<8x128x64xf32, #tpu.memory_space<vmem>> -> memref<1x128x64xf32, #tpu.memory_space<vmem>>
      %dma_start3A_233 = tpu.memref_squeeze %dma_start3A_232 : memref<1x128x64xf32, #tpu.memory_space<vmem>> -> memref<128x64xf32, #tpu.memory_space<vmem>>
      %dma_start3A_234 = arith.constant 0 : i32
      %dma_start3A_235 = tpu.memref_slice %arg5[%dma_start3A_228, %dma_start3A_234] : memref<8x128xi32, #tpu.memory_space<vmem>> -> memref<1x128xi32, #tpu.memory_space<vmem>>
      %dma_start3A_236 = tpu.memref_squeeze %dma_start3A_235 : memref<1x128xi32, #tpu.memory_space<vmem>> -> memref<128xi32, #tpu.memory_space<vmem>>
      %dma_start3A_237 = arith.constant 0 : i32
      %dma_start3A_238 = arith.constant 0 : i32
      %dma_start3A_239 = tpu.memref_slice %arg3[%dma_start3A_237, %dma_start3A_238] : memref<30522x64xf32, #tpu.memory_space<hbm>> -> memref<30522x64xf32, #tpu.memory_space<hbm>>
      tpu.enqueue_indirect_dma source(%dma_start3A_239 : memref<30522x64xf32, #tpu.memory_space<hbm>>) target(%dma_start3A_233 : memref<128x64xf32, #tpu.memory_space<vmem>>) offsets(%dma_start3A_236 : memref<128xi32, #tpu.memory_space<vmem>>) semaphore(%arg15 : memref<!tpu.dma_semaphore, #tpu.memory_space<semaphore_mem>>)
      %dma_wait3A_240 = arith.constant 1 : i32
      %dma_wait3A_241 = arith.constant 0 : i32
      %dma_wait3A_242 = tpu.memref_slice %arg5[%dma_wait3A_240, %dma_wait3A_241] : memref<8x128xi32, #tpu.memory_space<vmem>> -> memref<1x128xi32, #tpu.memory_space<vmem>>
      %dma_wait3A_243 = tpu.memref_squeeze %dma_wait3A_242 : memref<1x128xi32, #tpu.memory_space<vmem>> -> memref<128xi32, #tpu.memory_space<vmem>>
      %dma_wait3A_244 = arith.constant 0 : i32
      %dma_wait3A_245 = tpu.memref_slice %arg2[%dma_wait3A_244] : memref<524288xi32, #tpu.memory_space<hbm>> -> memref<128xi32, #tpu.memory_space<hbm>>
      %dma_wait3A_246 = arith.constant 0 : i32
      %dma_wait3A_247 = tpu.memref_slice %arg5[%dma_wait3A_240, %dma_wait3A_246] : memref<8x128xi32, #tpu.memory_space<vmem>> -> memref<1x128xi32, #tpu.memory_space<vmem>>
      %dma_wait3A_248 = tpu.memref_squeeze %dma_wait3A_247 : memref<1x128xi32, #tpu.memory_space<vmem>> -> memref<128xi32, #tpu.memory_space<vmem>>
      %dma_wait3A_249 = arith.constant 0 : i32
      %dma_wait3A_250 = tpu.memref_slice %arg2[%dma_wait3A_249] : memref<524288xi32, #tpu.memory_space<hbm>> -> memref<128xi32, #tpu.memory_space<hbm>>
      tpu.wait_dma2 semaphore(%arg8 : memref<!tpu.dma_semaphore, #tpu.memory_space<semaphore_mem>>) src(%dma_wait3A_250 : memref<128xi32, #tpu.memory_space<hbm>>) dst(%dma_wait3A_248 : memref<128xi32, #tpu.memory_space<vmem>>)
      %gt3A_251 = arith.constant 0 : i32
      %gt3A_252 = arith.cmpi sgt, %scan3A_214, %gt3A_251 : i32
      %convert_element_type3A_253 = arith.extui %gt3A_252 : i1 to i32
      %cond3A_254 = arith.constant 0 : i32
      %cond3A_255 = arith.cmpi ne, %convert_element_type3A_253, %cond3A_254 : i32
      scf.if %cond3A_255 {
        %dma_wait3A_731 = arith.constant 1 : i32
        %dma_wait3A_732 = arith.constant 0 : i32
        %dma_wait3A_733 = arith.constant 0 : i32
        %dma_wait3A_734 = tpu.memref_slice %arg6[%dma_wait3A_731, %dma_wait3A_732, %dma_wait3A_733] : memref<8x128x64xf32, #tpu.memory_space<vmem>> -> memref<1x128x64xf32, #tpu.memory_space<vmem>>
        %dma_wait3A_735 = tpu.memref_squeeze %dma_wait3A_734 : memref<1x128x64xf32, #tpu.memory_space<vmem>> -> memref<128x64xf32, #tpu.memory_space<vmem>>
        %dma_wait3A_736 = arith.constant 0 : i32
        %dma_wait3A_737 = arith.constant 0 : i32
        %dma_wait3A_738 = tpu.memref_slice %arg4[%dma_wait3A_736, %dma_wait3A_737] : memref<524288x64xf32, #tpu.memory_space<hbm>> -> memref<128x64xf32, #tpu.memory_space<hbm>>
        %dma_wait3A_739 = arith.constant 0 : i32
        %dma_wait3A_740 = arith.constant 0 : i32
        %dma_wait3A_741 = tpu.memref_slice %arg4[%dma_wait3A_739, %dma_wait3A_740] : memref<524288x64xf32, #tpu.memory_space<hbm>> -> memref<128x64xf32, #tpu.memory_space<hbm>>
        %dma_wait3A_742 = arith.constant 0 : i32
        %dma_wait3A_743 = arith.constant 0 : i32
        %dma_wait3A_744 = tpu.memref_slice %arg6[%dma_wait3A_731, %dma_wait3A_742, %dma_wait3A_743] : memref<8x128x64xf32, #tpu.memory_space<vmem>> -> memref<1x128x64xf32, #tpu.memory_space<vmem>>
        %dma_wait3A_745 = tpu.memref_squeeze %dma_wait3A_744 : memref<1x128x64xf32, #tpu.memory_space<vmem>> -> memref<128x64xf32, #tpu.memory_space<vmem>>
        tpu.wait_dma2 semaphore(%arg24 : memref<!tpu.dma_semaphore, #tpu.memory_space<semaphore_mem>>) src(%dma_wait3A_745 : memref<128x64xf32, #tpu.memory_space<vmem>>) dst(%dma_wait3A_741 : memref<128x64xf32, #tpu.memory_space<hbm>>)
      } else {
      }
      %dma_start3A_256 = arith.constant 1 : i32
      %dma_start3A_257 = arith.constant 1 : i32
      %dma_start3A_258 = arith.constant 0 : i32
      %dma_start3A_259 = arith.constant 0 : i32
      %dma_start3A_260 = tpu.memref_slice %arg6[%dma_start3A_257, %dma_start3A_258, %dma_start3A_259] : memref<8x128x64xf32, #tpu.memory_space<vmem>> -> memref<1x128x64xf32, #tpu.memory_space<vmem>>
      %dma_start3A_261 = tpu.memref_squeeze %dma_start3A_260 : memref<1x128x64xf32, #tpu.memory_space<vmem>> -> memref<128x64xf32, #tpu.memory_space<vmem>>
      %dma_start3A_262 = arith.constant 0 : i32
      %dma_start3A_263 = tpu.memref_slice %arg5[%dma_start3A_256, %dma_start3A_262] : memref<8x128xi32, #tpu.memory_space<vmem>> -> memref<1x128xi32, #tpu.memory_space<vmem>>
      %dma_start3A_264 = tpu.memref_squeeze %dma_start3A_263 : memref<1x128xi32, #tpu.memory_space<vmem>> -> memref<128xi32, #tpu.memory_space<vmem>>
      %dma_start3A_265 = arith.constant 0 : i32
      %dma_start3A_266 = arith.constant 0 : i32
      %dma_start3A_267 = tpu.memref_slice %arg3[%dma_start3A_265, %dma_start3A_266] : memref<30522x64xf32, #tpu.memory_space<hbm>> -> memref<30522x64xf32, #tpu.memory_space<hbm>>
      tpu.enqueue_indirect_dma source(%dma_start3A_267 : memref<30522x64xf32, #tpu.memory_space<hbm>>) target(%dma_start3A_261 : memref<128x64xf32, #tpu.memory_space<vmem>>) offsets(%dma_start3A_264 : memref<128xi32, #tpu.memory_space<vmem>>) semaphore(%arg16 : memref<!tpu.dma_semaphore, #tpu.memory_space<semaphore_mem>>)
      %dma_wait3A_268 = arith.constant 2 : i32
      %dma_wait3A_269 = arith.constant 0 : i32
      %dma_wait3A_270 = tpu.memref_slice %arg5[%dma_wait3A_268, %dma_wait3A_269] : memref<8x128xi32, #tpu.memory_space<vmem>> -> memref<1x128xi32, #tpu.memory_space<vmem>>
      %dma_wait3A_271 = tpu.memref_squeeze %dma_wait3A_270 : memref<1x128xi32, #tpu.memory_space<vmem>> -> memref<128xi32, #tpu.memory_space<vmem>>
      %dma_wait3A_272 = arith.constant 0 : i32
      %dma_wait3A_273 = tpu.memref_slice %arg2[%dma_wait3A_272] : memref<524288xi32, #tpu.memory_space<hbm>> -> memref<128xi32, #tpu.memory_space<hbm>>
      %dma_wait3A_274 = arith.constant 0 : i32
      %dma_wait3A_275 = tpu.memref_slice %arg5[%dma_wait3A_268, %dma_wait3A_274] : memref<8x128xi32, #tpu.memory_space<vmem>> -> memref<1x128xi32, #tpu.memory_space<vmem>>
      %dma_wait3A_276 = tpu.memref_squeeze %dma_wait3A_275 : memref<1x128xi32, #tpu.memory_space<vmem>> -> memref<128xi32, #tpu.memory_space<vmem>>
      %dma_wait3A_277 = arith.constant 0 : i32
      %dma_wait3A_278 = tpu.memref_slice %arg2[%dma_wait3A_277] : memref<524288xi32, #tpu.memory_space<hbm>> -> memref<128xi32, #tpu.memory_space<hbm>>
      tpu.wait_dma2 semaphore(%arg9 : memref<!tpu.dma_semaphore, #tpu.memory_space<semaphore_mem>>) src(%dma_wait3A_278 : memref<128xi32, #tpu.memory_space<hbm>>) dst(%dma_wait3A_276 : memref<128xi32, #tpu.memory_space<vmem>>)
      %gt3A_279 = arith.constant 0 : i32
      %gt3A_280 = arith.cmpi sgt, %scan3A_214, %gt3A_279 : i32
      %convert_element_type3A_281 = arith.extui %gt3A_280 : i1 to i32
      %cond3A_282 = arith.constant 0 : i32
      %cond3A_283 = arith.cmpi ne, %convert_element_type3A_281, %cond3A_282 : i32
      scf.if %cond3A_283 {
        %dma_wait3A_731 = arith.constant 2 : i32
        %dma_wait3A_732 = arith.constant 0 : i32
        %dma_wait3A_733 = arith.constant 0 : i32
        %dma_wait3A_734 = tpu.memref_slice %arg6[%dma_wait3A_731, %dma_wait3A_732, %dma_wait3A_733] : memref<8x128x64xf32, #tpu.memory_space<vmem>> -> memref<1x128x64xf32, #tpu.memory_space<vmem>>
        %dma_wait3A_735 = tpu.memref_squeeze %dma_wait3A_734 : memref<1x128x64xf32, #tpu.memory_space<vmem>> -> memref<128x64xf32, #tpu.memory_space<vmem>>
        %dma_wait3A_736 = arith.constant 0 : i32
        %dma_wait3A_737 = arith.constant 0 : i32
        %dma_wait3A_738 = tpu.memref_slice %arg4[%dma_wait3A_736, %dma_wait3A_737] : memref<524288x64xf32, #tpu.memory_space<hbm>> -> memref<128x64xf32, #tpu.memory_space<hbm>>
        %dma_wait3A_739 = arith.constant 0 : i32
        %dma_wait3A_740 = arith.constant 0 : i32
        %dma_wait3A_741 = tpu.memref_slice %arg4[%dma_wait3A_739, %dma_wait3A_740] : memref<524288x64xf32, #tpu.memory_space<hbm>> -> memref<128x64xf32, #tpu.memory_space<hbm>>
        %dma_wait3A_742 = arith.constant 0 : i32
        %dma_wait3A_743 = arith.constant 0 : i32
        %dma_wait3A_744 = tpu.memref_slice %arg6[%dma_wait3A_731, %dma_wait3A_742, %dma_wait3A_743] : memref<8x128x64xf32, #tpu.memory_space<vmem>> -> memref<1x128x64xf32, #tpu.memory_space<vmem>>
        %dma_wait3A_745 = tpu.memref_squeeze %dma_wait3A_744 : memref<1x128x64xf32, #tpu.memory_space<vmem>> -> memref<128x64xf32, #tpu.memory_space<vmem>>
        tpu.wait_dma2 semaphore(%arg25 : memref<!tpu.dma_semaphore, #tpu.memory_space<semaphore_mem>>) src(%dma_wait3A_745 : memref<128x64xf32, #tpu.memory_space<vmem>>) dst(%dma_wait3A_741 : memref<128x64xf32, #tpu.memory_space<hbm>>)
      } else {
      }
      %dma_start3A_284 = arith.constant 2 : i32
      %dma_start3A_285 = arith.constant 2 : i32
      %dma_start3A_286 = arith.constant 0 : i32
      %dma_start3A_287 = arith.constant 0 : i32
      %dma_start3A_288 = tpu.memref_slice %arg6[%dma_start3A_285, %dma_start3A_286, %dma_start3A_287] : memref<8x128x64xf32, #tpu.memory_space<vmem>> -> memref<1x128x64xf32, #tpu.memory_space<vmem>>
      %dma_start3A_289 = tpu.memref_squeeze %dma_start3A_288 : memref<1x128x64xf32, #tpu.memory_space<vmem>> -> memref<128x64xf32, #tpu.memory_space<vmem>>
      %dma_start3A_290 = arith.constant 0 : i32
      %dma_start3A_291 = tpu.memref_slice %arg5[%dma_start3A_284, %dma_start3A_290] : memref<8x128xi32, #tpu.memory_space<vmem>> -> memref<1x128xi32, #tpu.memory_space<vmem>>
      %dma_start3A_292 = tpu.memref_squeeze %dma_start3A_291 : memref<1x128xi32, #tpu.memory_space<vmem>> -> memref<128xi32, #tpu.memory_space<vmem>>
      %dma_start3A_293 = arith.constant 0 : i32
      %dma_start3A_294 = arith.constant 0 : i32
      %dma_start3A_295 = tpu.memref_slice %arg3[%dma_start3A_293, %dma_start3A_294] : memref<30522x64xf32, #tpu.memory_space<hbm>> -> memref<30522x64xf32, #tpu.memory_space<hbm>>
      tpu.enqueue_indirect_dma source(%dma_start3A_295 : memref<30522x64xf32, #tpu.memory_space<hbm>>) target(%dma_start3A_289 : memref<128x64xf32, #tpu.memory_space<vmem>>) offsets(%dma_start3A_292 : memref<128xi32, #tpu.memory_space<vmem>>) semaphore(%arg17 : memref<!tpu.dma_semaphore, #tpu.memory_space<semaphore_mem>>)
      %dma_wait3A_296 = arith.constant 3 : i32
      %dma_wait3A_297 = arith.constant 0 : i32
      %dma_wait3A_298 = tpu.memref_slice %arg5[%dma_wait3A_296, %dma_wait3A_297] : memref<8x128xi32, #tpu.memory_space<vmem>> -> memref<1x128xi32, #tpu.memory_space<vmem>>
      %dma_wait3A_299 = tpu.memref_squeeze %dma_wait3A_298 : memref<1x128xi32, #tpu.memory_space<vmem>> -> memref<128xi32, #tpu.memory_space<vmem>>
      %dma_wait3A_300 = arith.constant 0 : i32
      %dma_wait3A_301 = tpu.memref_slice %arg2[%dma_wait3A_300] : memref<524288xi32, #tpu.memory_space<hbm>> -> memref<128xi32, #tpu.memory_space<hbm>>
      %dma_wait3A_302 = arith.constant 0 : i32
      %dma_wait3A_303 = tpu.memref_slice %arg5[%dma_wait3A_296, %dma_wait3A_302] : memref<8x128xi32, #tpu.memory_space<vmem>> -> memref<1x128xi32, #tpu.memory_space<vmem>>
      %dma_wait3A_304 = tpu.memref_squeeze %dma_wait3A_303 : memref<1x128xi32, #tpu.memory_space<vmem>> -> memref<128xi32, #tpu.memory_space<vmem>>
      %dma_wait3A_305 = arith.constant 0 : i32
      %dma_wait3A_306 = tpu.memref_slice %arg2[%dma_wait3A_305] : memref<524288xi32, #tpu.memory_space<hbm>> -> memref<128xi32, #tpu.memory_space<hbm>>
      tpu.wait_dma2 semaphore(%arg10 : memref<!tpu.dma_semaphore, #tpu.memory_space<semaphore_mem>>) src(%dma_wait3A_306 : memref<128xi32, #tpu.memory_space<hbm>>) dst(%dma_wait3A_304 : memref<128xi32, #tpu.memory_space<vmem>>)
      %gt3A_307 = arith.constant 0 : i32
      %gt3A_308 = arith.cmpi sgt, %scan3A_214, %gt3A_307 : i32
      %convert_element_type3A_309 = arith.extui %gt3A_308 : i1 to i32
      %cond3A_310 = arith.constant 0 : i32
      %cond3A_311 = arith.cmpi ne, %convert_element_type3A_309, %cond3A_310 : i32
      scf.if %cond3A_311 {
        %dma_wait3A_731 = arith.constant 3 : i32
        %dma_wait3A_732 = arith.constant 0 : i32
        %dma_wait3A_733 = arith.constant 0 : i32
        %dma_wait3A_734 = tpu.memref_slice %arg6[%dma_wait3A_731, %dma_wait3A_732, %dma_wait3A_733] : memref<8x128x64xf32, #tpu.memory_space<vmem>> -> memref<1x128x64xf32, #tpu.memory_space<vmem>>
        %dma_wait3A_735 = tpu.memref_squeeze %dma_wait3A_734 : memref<1x128x64xf32, #tpu.memory_space<vmem>> -> memref<128x64xf32, #tpu.memory_space<vmem>>
        %dma_wait3A_736 = arith.constant 0 : i32
        %dma_wait3A_737 = arith.constant 0 : i32
        %dma_wait3A_738 = tpu.memref_slice %arg4[%dma_wait3A_736, %dma_wait3A_737] : memref<524288x64xf32, #tpu.memory_space<hbm>> -> memref<128x64xf32, #tpu.memory_space<hbm>>
        %dma_wait3A_739 = arith.constant 0 : i32
        %dma_wait3A_740 = arith.constant 0 : i32
        %dma_wait3A_741 = tpu.memref_slice %arg4[%dma_wait3A_739, %dma_wait3A_740] : memref<524288x64xf32, #tpu.memory_space<hbm>> -> memref<128x64xf32, #tpu.memory_space<hbm>>
        %dma_wait3A_742 = arith.constant 0 : i32
        %dma_wait3A_743 = arith.constant 0 : i32
        %dma_wait3A_744 = tpu.memref_slice %arg6[%dma_wait3A_731, %dma_wait3A_742, %dma_wait3A_743] : memref<8x128x64xf32, #tpu.memory_space<vmem>> -> memref<1x128x64xf32, #tpu.memory_space<vmem>>
        %dma_wait3A_745 = tpu.memref_squeeze %dma_wait3A_744 : memref<1x128x64xf32, #tpu.memory_space<vmem>> -> memref<128x64xf32, #tpu.memory_space<vmem>>
        tpu.wait_dma2 semaphore(%arg26 : memref<!tpu.dma_semaphore, #tpu.memory_space<semaphore_mem>>) src(%dma_wait3A_745 : memref<128x64xf32, #tpu.memory_space<vmem>>) dst(%dma_wait3A_741 : memref<128x64xf32, #tpu.memory_space<hbm>>)
      } else {
      }
      %dma_start3A_312 = arith.constant 3 : i32
      %dma_start3A_313 = arith.constant 3 : i32
      %dma_start3A_314 = arith.constant 0 : i32
      %dma_start3A_315 = arith.constant 0 : i32
      %dma_start3A_316 = tpu.memref_slice %arg6[%dma_start3A_313, %dma_start3A_314, %dma_start3A_315] : memref<8x128x64xf32, #tpu.memory_space<vmem>> -> memref<1x128x64xf32, #tpu.memory_space<vmem>>
      %dma_start3A_317 = tpu.memref_squeeze %dma_start3A_316 : memref<1x128x64xf32, #tpu.memory_space<vmem>> -> memref<128x64xf32, #tpu.memory_space<vmem>>
      %dma_start3A_318 = arith.constant 0 : i32
      %dma_start3A_319 = tpu.memref_slice %arg5[%dma_start3A_312, %dma_start3A_318] : memref<8x128xi32, #tpu.memory_space<vmem>> -> memref<1x128xi32, #tpu.memory_space<vmem>>
      %dma_start3A_320 = tpu.memref_squeeze %dma_start3A_319 : memref<1x128xi32, #tpu.memory_space<vmem>> -> memref<128xi32, #tpu.memory_space<vmem>>
      %dma_start3A_321 = arith.constant 0 : i32
      %dma_start3A_322 = arith.constant 0 : i32
      %dma_start3A_323 = tpu.memref_slice %arg3[%dma_start3A_321, %dma_start3A_322] : memref<30522x64xf32, #tpu.memory_space<hbm>> -> memref<30522x64xf32, #tpu.memory_space<hbm>>
      tpu.enqueue_indirect_dma source(%dma_start3A_323 : memref<30522x64xf32, #tpu.memory_space<hbm>>) target(%dma_start3A_317 : memref<128x64xf32, #tpu.memory_space<vmem>>) offsets(%dma_start3A_320 : memref<128xi32, #tpu.memory_space<vmem>>) semaphore(%arg18 : memref<!tpu.dma_semaphore, #tpu.memory_space<semaphore_mem>>)
      %dma_wait3A_324 = arith.constant 4 : i32
      %dma_wait3A_325 = arith.constant 0 : i32
      %dma_wait3A_326 = tpu.memref_slice %arg5[%dma_wait3A_324, %dma_wait3A_325] : memref<8x128xi32, #tpu.memory_space<vmem>> -> memref<1x128xi32, #tpu.memory_space<vmem>>
      %dma_wait3A_327 = tpu.memref_squeeze %dma_wait3A_326 : memref<1x128xi32, #tpu.memory_space<vmem>> -> memref<128xi32, #tpu.memory_space<vmem>>
      %dma_wait3A_328 = arith.constant 0 : i32
      %dma_wait3A_329 = tpu.memref_slice %arg2[%dma_wait3A_328] : memref<524288xi32, #tpu.memory_space<hbm>> -> memref<128xi32, #tpu.memory_space<hbm>>
      %dma_wait3A_330 = arith.constant 0 : i32
      %dma_wait3A_331 = tpu.memref_slice %arg5[%dma_wait3A_324, %dma_wait3A_330] : memref<8x128xi32, #tpu.memory_space<vmem>> -> memref<1x128xi32, #tpu.memory_space<vmem>>
      %dma_wait3A_332 = tpu.memref_squeeze %dma_wait3A_331 : memref<1x128xi32, #tpu.memory_space<vmem>> -> memref<128xi32, #tpu.memory_space<vmem>>
      %dma_wait3A_333 = arith.constant 0 : i32
      %dma_wait3A_334 = tpu.memref_slice %arg2[%dma_wait3A_333] : memref<524288xi32, #tpu.memory_space<hbm>> -> memref<128xi32, #tpu.memory_space<hbm>>
      tpu.wait_dma2 semaphore(%arg11 : memref<!tpu.dma_semaphore, #tpu.memory_space<semaphore_mem>>) src(%dma_wait3A_334 : memref<128xi32, #tpu.memory_space<hbm>>) dst(%dma_wait3A_332 : memref<128xi32, #tpu.memory_space<vmem>>)
      %gt3A_335 = arith.constant 0 : i32
      %gt3A_336 = arith.cmpi sgt, %scan3A_214, %gt3A_335 : i32
      %convert_element_type3A_337 = arith.extui %gt3A_336 : i1 to i32
      %cond3A_338 = arith.constant 0 : i32
      %cond3A_339 = arith.cmpi ne, %convert_element_type3A_337, %cond3A_338 : i32
      scf.if %cond3A_339 {
        %dma_wait3A_731 = arith.constant 4 : i32
        %dma_wait3A_732 = arith.constant 0 : i32
        %dma_wait3A_733 = arith.constant 0 : i32
        %dma_wait3A_734 = tpu.memref_slice %arg6[%dma_wait3A_731, %dma_wait3A_732, %dma_wait3A_733] : memref<8x128x64xf32, #tpu.memory_space<vmem>> -> memref<1x128x64xf32, #tpu.memory_space<vmem>>
        %dma_wait3A_735 = tpu.memref_squeeze %dma_wait3A_734 : memref<1x128x64xf32, #tpu.memory_space<vmem>> -> memref<128x64xf32, #tpu.memory_space<vmem>>
        %dma_wait3A_736 = arith.constant 0 : i32
        %dma_wait3A_737 = arith.constant 0 : i32
        %dma_wait3A_738 = tpu.memref_slice %arg4[%dma_wait3A_736, %dma_wait3A_737] : memref<524288x64xf32, #tpu.memory_space<hbm>> -> memref<128x64xf32, #tpu.memory_space<hbm>>
        %dma_wait3A_739 = arith.constant 0 : i32
        %dma_wait3A_740 = arith.constant 0 : i32
        %dma_wait3A_741 = tpu.memref_slice %arg4[%dma_wait3A_739, %dma_wait3A_740] : memref<524288x64xf32, #tpu.memory_space<hbm>> -> memref<128x64xf32, #tpu.memory_space<hbm>>
        %dma_wait3A_742 = arith.constant 0 : i32
        %dma_wait3A_743 = arith.constant 0 : i32
        %dma_wait3A_744 = tpu.memref_slice %arg6[%dma_wait3A_731, %dma_wait3A_742, %dma_wait3A_743] : memref<8x128x64xf32, #tpu.memory_space<vmem>> -> memref<1x128x64xf32, #tpu.memory_space<vmem>>
        %dma_wait3A_745 = tpu.memref_squeeze %dma_wait3A_744 : memref<1x128x64xf32, #tpu.memory_space<vmem>> -> memref<128x64xf32, #tpu.memory_space<vmem>>
        tpu.wait_dma2 semaphore(%arg27 : memref<!tpu.dma_semaphore, #tpu.memory_space<semaphore_mem>>) src(%dma_wait3A_745 : memref<128x64xf32, #tpu.memory_space<vmem>>) dst(%dma_wait3A_741 : memref<128x64xf32, #tpu.memory_space<hbm>>)
      } else {
      }
      %dma_start3A_340 = arith.constant 4 : i32
      %dma_start3A_341 = arith.constant 4 : i32
      %dma_start3A_342 = arith.constant 0 : i32
      %dma_start3A_343 = arith.constant 0 : i32
      %dma_start3A_344 = tpu.memref_slice %arg6[%dma_start3A_341, %dma_start3A_342, %dma_start3A_343] : memref<8x128x64xf32, #tpu.memory_space<vmem>> -> memref<1x128x64xf32, #tpu.memory_space<vmem>>
      %dma_start3A_345 = tpu.memref_squeeze %dma_start3A_344 : memref<1x128x64xf32, #tpu.memory_space<vmem>> -> memref<128x64xf32, #tpu.memory_space<vmem>>
      %dma_start3A_346 = arith.constant 0 : i32
      %dma_start3A_347 = tpu.memref_slice %arg5[%dma_start3A_340, %dma_start3A_346] : memref<8x128xi32, #tpu.memory_space<vmem>> -> memref<1x128xi32, #tpu.memory_space<vmem>>
      %dma_start3A_348 = tpu.memref_squeeze %dma_start3A_347 : memref<1x128xi32, #tpu.memory_space<vmem>> -> memref<128xi32, #tpu.memory_space<vmem>>
      %dma_start3A_349 = arith.constant 0 : i32
      %dma_start3A_350 = arith.constant 0 : i32
      %dma_start3A_351 = tpu.memref_slice %arg3[%dma_start3A_349, %dma_start3A_350] : memref<30522x64xf32, #tpu.memory_space<hbm>> -> memref<30522x64xf32, #tpu.memory_space<hbm>>
      tpu.enqueue_indirect_dma source(%dma_start3A_351 : memref<30522x64xf32, #tpu.memory_space<hbm>>) target(%dma_start3A_345 : memref<128x64xf32, #tpu.memory_space<vmem>>) offsets(%dma_start3A_348 : memref<128xi32, #tpu.memory_space<vmem>>) semaphore(%arg19 : memref<!tpu.dma_semaphore, #tpu.memory_space<semaphore_mem>>)
      %dma_wait3A_352 = arith.constant 5 : i32
      %dma_wait3A_353 = arith.constant 0 : i32
      %dma_wait3A_354 = tpu.memref_slice %arg5[%dma_wait3A_352, %dma_wait3A_353] : memref<8x128xi32, #tpu.memory_space<vmem>> -> memref<1x128xi32, #tpu.memory_space<vmem>>
      %dma_wait3A_355 = tpu.memref_squeeze %dma_wait3A_354 : memref<1x128xi32, #tpu.memory_space<vmem>> -> memref<128xi32, #tpu.memory_space<vmem>>
      %dma_wait3A_356 = arith.constant 0 : i32
      %dma_wait3A_357 = tpu.memref_slice %arg2[%dma_wait3A_356] : memref<524288xi32, #tpu.memory_space<hbm>> -> memref<128xi32, #tpu.memory_space<hbm>>
      %dma_wait3A_358 = arith.constant 0 : i32
      %dma_wait3A_359 = tpu.memref_slice %arg5[%dma_wait3A_352, %dma_wait3A_358] : memref<8x128xi32, #tpu.memory_space<vmem>> -> memref<1x128xi32, #tpu.memory_space<vmem>>
      %dma_wait3A_360 = tpu.memref_squeeze %dma_wait3A_359 : memref<1x128xi32, #tpu.memory_space<vmem>> -> memref<128xi32, #tpu.memory_space<vmem>>
      %dma_wait3A_361 = arith.constant 0 : i32
      %dma_wait3A_362 = tpu.memref_slice %arg2[%dma_wait3A_361] : memref<524288xi32, #tpu.memory_space<hbm>> -> memref<128xi32, #tpu.memory_space<hbm>>
      tpu.wait_dma2 semaphore(%arg12 : memref<!tpu.dma_semaphore, #tpu.memory_space<semaphore_mem>>) src(%dma_wait3A_362 : memref<128xi32, #tpu.memory_space<hbm>>) dst(%dma_wait3A_360 : memref<128xi32, #tpu.memory_space<vmem>>)
      %gt3A_363 = arith.constant 0 : i32
      %gt3A_364 = arith.cmpi sgt, %scan3A_214, %gt3A_363 : i32
      %convert_element_type3A_365 = arith.extui %gt3A_364 : i1 to i32
      %cond3A_366 = arith.constant 0 : i32
      %cond3A_367 = arith.cmpi ne, %convert_element_type3A_365, %cond3A_366 : i32
      scf.if %cond3A_367 {
        %dma_wait3A_731 = arith.constant 5 : i32
        %dma_wait3A_732 = arith.constant 0 : i32
        %dma_wait3A_733 = arith.constant 0 : i32
        %dma_wait3A_734 = tpu.memref_slice %arg6[%dma_wait3A_731, %dma_wait3A_732, %dma_wait3A_733] : memref<8x128x64xf32, #tpu.memory_space<vmem>> -> memref<1x128x64xf32, #tpu.memory_space<vmem>>
        %dma_wait3A_735 = tpu.memref_squeeze %dma_wait3A_734 : memref<1x128x64xf32, #tpu.memory_space<vmem>> -> memref<128x64xf32, #tpu.memory_space<vmem>>
        %dma_wait3A_736 = arith.constant 0 : i32
        %dma_wait3A_737 = arith.constant 0 : i32
        %dma_wait3A_738 = tpu.memref_slice %arg4[%dma_wait3A_736, %dma_wait3A_737] : memref<524288x64xf32, #tpu.memory_space<hbm>> -> memref<128x64xf32, #tpu.memory_space<hbm>>
        %dma_wait3A_739 = arith.constant 0 : i32
        %dma_wait3A_740 = arith.constant 0 : i32
        %dma_wait3A_741 = tpu.memref_slice %arg4[%dma_wait3A_739, %dma_wait3A_740] : memref<524288x64xf32, #tpu.memory_space<hbm>> -> memref<128x64xf32, #tpu.memory_space<hbm>>
        %dma_wait3A_742 = arith.constant 0 : i32
        %dma_wait3A_743 = arith.constant 0 : i32
        %dma_wait3A_744 = tpu.memref_slice %arg6[%dma_wait3A_731, %dma_wait3A_742, %dma_wait3A_743] : memref<8x128x64xf32, #tpu.memory_space<vmem>> -> memref<1x128x64xf32, #tpu.memory_space<vmem>>
        %dma_wait3A_745 = tpu.memref_squeeze %dma_wait3A_744 : memref<1x128x64xf32, #tpu.memory_space<vmem>> -> memref<128x64xf32, #tpu.memory_space<vmem>>
        tpu.wait_dma2 semaphore(%arg28 : memref<!tpu.dma_semaphore, #tpu.memory_space<semaphore_mem>>) src(%dma_wait3A_745 : memref<128x64xf32, #tpu.memory_space<vmem>>) dst(%dma_wait3A_741 : memref<128x64xf32, #tpu.memory_space<hbm>>)
      } else {
      }
      %dma_start3A_368 = arith.constant 5 : i32
      %dma_start3A_369 = arith.constant 5 : i32
      %dma_start3A_370 = arith.constant 0 : i32
      %dma_start3A_371 = arith.constant 0 : i32
      %dma_start3A_372 = tpu.memref_slice %arg6[%dma_start3A_369, %dma_start3A_370, %dma_start3A_371] : memref<8x128x64xf32, #tpu.memory_space<vmem>> -> memref<1x128x64xf32, #tpu.memory_space<vmem>>
      %dma_start3A_373 = tpu.memref_squeeze %dma_start3A_372 : memref<1x128x64xf32, #tpu.memory_space<vmem>> -> memref<128x64xf32, #tpu.memory_space<vmem>>
      %dma_start3A_374 = arith.constant 0 : i32
      %dma_start3A_375 = tpu.memref_slice %arg5[%dma_start3A_368, %dma_start3A_374] : memref<8x128xi32, #tpu.memory_space<vmem>> -> memref<1x128xi32, #tpu.memory_space<vmem>>
      %dma_start3A_376 = tpu.memref_squeeze %dma_start3A_375 : memref<1x128xi32, #tpu.memory_space<vmem>> -> memref<128xi32, #tpu.memory_space<vmem>>
      %dma_start3A_377 = arith.constant 0 : i32
      %dma_start3A_378 = arith.constant 0 : i32
      %dma_start3A_379 = tpu.memref_slice %arg3[%dma_start3A_377, %dma_start3A_378] : memref<30522x64xf32, #tpu.memory_space<hbm>> -> memref<30522x64xf32, #tpu.memory_space<hbm>>
      tpu.enqueue_indirect_dma source(%dma_start3A_379 : memref<30522x64xf32, #tpu.memory_space<hbm>>) target(%dma_start3A_373 : memref<128x64xf32, #tpu.memory_space<vmem>>) offsets(%dma_start3A_376 : memref<128xi32, #tpu.memory_space<vmem>>) semaphore(%arg20 : memref<!tpu.dma_semaphore, #tpu.memory_space<semaphore_mem>>)
      %dma_wait3A_380 = arith.constant 6 : i32
      %dma_wait3A_381 = arith.constant 0 : i32
      %dma_wait3A_382 = tpu.memref_slice %arg5[%dma_wait3A_380, %dma_wait3A_381] : memref<8x128xi32, #tpu.memory_space<vmem>> -> memref<1x128xi32, #tpu.memory_space<vmem>>
      %dma_wait3A_383 = tpu.memref_squeeze %dma_wait3A_382 : memref<1x128xi32, #tpu.memory_space<vmem>> -> memref<128xi32, #tpu.memory_space<vmem>>
      %dma_wait3A_384 = arith.constant 0 : i32
      %dma_wait3A_385 = tpu.memref_slice %arg2[%dma_wait3A_384] : memref<524288xi32, #tpu.memory_space<hbm>> -> memref<128xi32, #tpu.memory_space<hbm>>
      %dma_wait3A_386 = arith.constant 0 : i32
      %dma_wait3A_387 = tpu.memref_slice %arg5[%dma_wait3A_380, %dma_wait3A_386] : memref<8x128xi32, #tpu.memory_space<vmem>> -> memref<1x128xi32, #tpu.memory_space<vmem>>
      %dma_wait3A_388 = tpu.memref_squeeze %dma_wait3A_387 : memref<1x128xi32, #tpu.memory_space<vmem>> -> memref<128xi32, #tpu.memory_space<vmem>>
      %dma_wait3A_389 = arith.constant 0 : i32
      %dma_wait3A_390 = tpu.memref_slice %arg2[%dma_wait3A_389] : memref<524288xi32, #tpu.memory_space<hbm>> -> memref<128xi32, #tpu.memory_space<hbm>>
      tpu.wait_dma2 semaphore(%arg13 : memref<!tpu.dma_semaphore, #tpu.memory_space<semaphore_mem>>) src(%dma_wait3A_390 : memref<128xi32, #tpu.memory_space<hbm>>) dst(%dma_wait3A_388 : memref<128xi32, #tpu.memory_space<vmem>>)
      %gt3A_391 = arith.constant 0 : i32
      %gt3A_392 = arith.cmpi sgt, %scan3A_214, %gt3A_391 : i32
      %convert_element_type3A_393 = arith.extui %gt3A_392 : i1 to i32
      %cond3A_394 = arith.constant 0 : i32
      %cond3A_395 = arith.cmpi ne, %convert_element_type3A_393, %cond3A_394 : i32
      scf.if %cond3A_395 {
        %dma_wait3A_731 = arith.constant 6 : i32
        %dma_wait3A_732 = arith.constant 0 : i32
        %dma_wait3A_733 = arith.constant 0 : i32
        %dma_wait3A_734 = tpu.memref_slice %arg6[%dma_wait3A_731, %dma_wait3A_732, %dma_wait3A_733] : memref<8x128x64xf32, #tpu.memory_space<vmem>> -> memref<1x128x64xf32, #tpu.memory_space<vmem>>
        %dma_wait3A_735 = tpu.memref_squeeze %dma_wait3A_734 : memref<1x128x64xf32, #tpu.memory_space<vmem>> -> memref<128x64xf32, #tpu.memory_space<vmem>>
        %dma_wait3A_736 = arith.constant 0 : i32
        %dma_wait3A_737 = arith.constant 0 : i32
        %dma_wait3A_738 = tpu.memref_slice %arg4[%dma_wait3A_736, %dma_wait3A_737] : memref<524288x64xf32, #tpu.memory_space<hbm>> -> memref<128x64xf32, #tpu.memory_space<hbm>>
        %dma_wait3A_739 = arith.constant 0 : i32
        %dma_wait3A_740 = arith.constant 0 : i32
        %dma_wait3A_741 = tpu.memref_slice %arg4[%dma_wait3A_739, %dma_wait3A_740] : memref<524288x64xf32, #tpu.memory_space<hbm>> -> memref<128x64xf32, #tpu.memory_space<hbm>>
        %dma_wait3A_742 = arith.constant 0 : i32
        %dma_wait3A_743 = arith.constant 0 : i32
        %dma_wait3A_744 = tpu.memref_slice %arg6[%dma_wait3A_731, %dma_wait3A_742, %dma_wait3A_743] : memref<8x128x64xf32, #tpu.memory_space<vmem>> -> memref<1x128x64xf32, #tpu.memory_space<vmem>>
        %dma_wait3A_745 = tpu.memref_squeeze %dma_wait3A_744 : memref<1x128x64xf32, #tpu.memory_space<vmem>> -> memref<128x64xf32, #tpu.memory_space<vmem>>
        tpu.wait_dma2 semaphore(%arg29 : memref<!tpu.dma_semaphore, #tpu.memory_space<semaphore_mem>>) src(%dma_wait3A_745 : memref<128x64xf32, #tpu.memory_space<vmem>>) dst(%dma_wait3A_741 : memref<128x64xf32, #tpu.memory_space<hbm>>)
      } else {
      }
      %dma_start3A_396 = arith.constant 6 : i32
      %dma_start3A_397 = arith.constant 6 : i32
      %dma_start3A_398 = arith.constant 0 : i32
      %dma_start3A_399 = arith.constant 0 : i32
      %dma_start3A_400 = tpu.memref_slice %arg6[%dma_start3A_397, %dma_start3A_398, %dma_start3A_399] : memref<8x128x64xf32, #tpu.memory_space<vmem>> -> memref<1x128x64xf32, #tpu.memory_space<vmem>>
      %dma_start3A_401 = tpu.memref_squeeze %dma_start3A_400 : memref<1x128x64xf32, #tpu.memory_space<vmem>> -> memref<128x64xf32, #tpu.memory_space<vmem>>
      %dma_start3A_402 = arith.constant 0 : i32
      %dma_start3A_403 = tpu.memref_slice %arg5[%dma_start3A_396, %dma_start3A_402] : memref<8x128xi32, #tpu.memory_space<vmem>> -> memref<1x128xi32, #tpu.memory_space<vmem>>
      %dma_start3A_404 = tpu.memref_squeeze %dma_start3A_403 : memref<1x128xi32, #tpu.memory_space<vmem>> -> memref<128xi32, #tpu.memory_space<vmem>>
      %dma_start3A_405 = arith.constant 0 : i32
      %dma_start3A_406 = arith.constant 0 : i32
      %dma_start3A_407 = tpu.memref_slice %arg3[%dma_start3A_405, %dma_start3A_406] : memref<30522x64xf32, #tpu.memory_space<hbm>> -> memref<30522x64xf32, #tpu.memory_space<hbm>>
      tpu.enqueue_indirect_dma source(%dma_start3A_407 : memref<30522x64xf32, #tpu.memory_space<hbm>>) target(%dma_start3A_401 : memref<128x64xf32, #tpu.memory_space<vmem>>) offsets(%dma_start3A_404 : memref<128xi32, #tpu.memory_space<vmem>>) semaphore(%arg21 : memref<!tpu.dma_semaphore, #tpu.memory_space<semaphore_mem>>)
      %dma_wait3A_408 = arith.constant 7 : i32
      %dma_wait3A_409 = arith.constant 0 : i32
      %dma_wait3A_410 = tpu.memref_slice %arg5[%dma_wait3A_408, %dma_wait3A_409] : memref<8x128xi32, #tpu.memory_space<vmem>> -> memref<1x128xi32, #tpu.memory_space<vmem>>
      %dma_wait3A_411 = tpu.memref_squeeze %dma_wait3A_410 : memref<1x128xi32, #tpu.memory_space<vmem>> -> memref<128xi32, #tpu.memory_space<vmem>>
      %dma_wait3A_412 = arith.constant 0 : i32
      %dma_wait3A_413 = tpu.memref_slice %arg2[%dma_wait3A_412] : memref<524288xi32, #tpu.memory_space<hbm>> -> memref<128xi32, #tpu.memory_space<hbm>>
      %dma_wait3A_414 = arith.constant 0 : i32
      %dma_wait3A_415 = tpu.memref_slice %arg5[%dma_wait3A_408, %dma_wait3A_414] : memref<8x128xi32, #tpu.memory_space<vmem>> -> memref<1x128xi32, #tpu.memory_space<vmem>>
      %dma_wait3A_416 = tpu.memref_squeeze %dma_wait3A_415 : memref<1x128xi32, #tpu.memory_space<vmem>> -> memref<128xi32, #tpu.memory_space<vmem>>
      %dma_wait3A_417 = arith.constant 0 : i32
      %dma_wait3A_418 = tpu.memref_slice %arg2[%dma_wait3A_417] : memref<524288xi32, #tpu.memory_space<hbm>> -> memref<128xi32, #tpu.memory_space<hbm>>
      tpu.wait_dma2 semaphore(%arg14 : memref<!tpu.dma_semaphore, #tpu.memory_space<semaphore_mem>>) src(%dma_wait3A_418 : memref<128xi32, #tpu.memory_space<hbm>>) dst(%dma_wait3A_416 : memref<128xi32, #tpu.memory_space<vmem>>)
      %gt3A_419 = arith.constant 0 : i32
      %gt3A_420 = arith.cmpi sgt, %scan3A_214, %gt3A_419 : i32
      %convert_element_type3A_421 = arith.extui %gt3A_420 : i1 to i32
      %cond3A_422 = arith.constant 0 : i32
      %cond3A_423 = arith.cmpi ne, %convert_element_type3A_421, %cond3A_422 : i32
      scf.if %cond3A_423 {
        %dma_wait3A_731 = arith.constant 7 : i32
        %dma_wait3A_732 = arith.constant 0 : i32
        %dma_wait3A_733 = arith.constant 0 : i32
        %dma_wait3A_734 = tpu.memref_slice %arg6[%dma_wait3A_731, %dma_wait3A_732, %dma_wait3A_733] : memref<8x128x64xf32, #tpu.memory_space<vmem>> -> memref<1x128x64xf32, #tpu.memory_space<vmem>>
        %dma_wait3A_735 = tpu.memref_squeeze %dma_wait3A_734 : memref<1x128x64xf32, #tpu.memory_space<vmem>> -> memref<128x64xf32, #tpu.memory_space<vmem>>
        %dma_wait3A_736 = arith.constant 0 : i32
        %dma_wait3A_737 = arith.constant 0 : i32
        %dma_wait3A_738 = tpu.memref_slice %arg4[%dma_wait3A_736, %dma_wait3A_737] : memref<524288x64xf32, #tpu.memory_space<hbm>> -> memref<128x64xf32, #tpu.memory_space<hbm>>
        %dma_wait3A_739 = arith.constant 0 : i32
        %dma_wait3A_740 = arith.constant 0 : i32
        %dma_wait3A_741 = tpu.memref_slice %arg4[%dma_wait3A_739, %dma_wait3A_740] : memref<524288x64xf32, #tpu.memory_space<hbm>> -> memref<128x64xf32, #tpu.memory_space<hbm>>
        %dma_wait3A_742 = arith.constant 0 : i32
        %dma_wait3A_743 = arith.constant 0 : i32
        %dma_wait3A_744 = tpu.memref_slice %arg6[%dma_wait3A_731, %dma_wait3A_742, %dma_wait3A_743] : memref<8x128x64xf32, #tpu.memory_space<vmem>> -> memref<1x128x64xf32, #tpu.memory_space<vmem>>
        %dma_wait3A_745 = tpu.memref_squeeze %dma_wait3A_744 : memref<1x128x64xf32, #tpu.memory_space<vmem>> -> memref<128x64xf32, #tpu.memory_space<vmem>>
        tpu.wait_dma2 semaphore(%arg30 : memref<!tpu.dma_semaphore, #tpu.memory_space<semaphore_mem>>) src(%dma_wait3A_745 : memref<128x64xf32, #tpu.memory_space<vmem>>) dst(%dma_wait3A_741 : memref<128x64xf32, #tpu.memory_space<hbm>>)
      } else {
      }
      %dma_start3A_424 = arith.constant 7 : i32
      %dma_start3A_425 = arith.constant 7 : i32
      %dma_start3A_426 = arith.constant 0 : i32
      %dma_start3A_427 = arith.constant 0 : i32
      %dma_start3A_428 = tpu.memref_slice %arg6[%dma_start3A_425, %dma_start3A_426, %dma_start3A_427] : memref<8x128x64xf32, #tpu.memory_space<vmem>> -> memref<1x128x64xf32, #tpu.memory_space<vmem>>
      %dma_start3A_429 = tpu.memref_squeeze %dma_start3A_428 : memref<1x128x64xf32, #tpu.memory_space<vmem>> -> memref<128x64xf32, #tpu.memory_space<vmem>>
      %dma_start3A_430 = arith.constant 0 : i32
      %dma_start3A_431 = tpu.memref_slice %arg5[%dma_start3A_424, %dma_start3A_430] : memref<8x128xi32, #tpu.memory_space<vmem>> -> memref<1x128xi32, #tpu.memory_space<vmem>>
      %dma_start3A_432 = tpu.memref_squeeze %dma_start3A_431 : memref<1x128xi32, #tpu.memory_space<vmem>> -> memref<128xi32, #tpu.memory_space<vmem>>
      %dma_start3A_433 = arith.constant 0 : i32
      %dma_start3A_434 = arith.constant 0 : i32
      %dma_start3A_435 = tpu.memref_slice %arg3[%dma_start3A_433, %dma_start3A_434] : memref<30522x64xf32, #tpu.memory_space<hbm>> -> memref<30522x64xf32, #tpu.memory_space<hbm>>
      tpu.enqueue_indirect_dma source(%dma_start3A_435 : memref<30522x64xf32, #tpu.memory_space<hbm>>) target(%dma_start3A_429 : memref<128x64xf32, #tpu.memory_space<vmem>>) offsets(%dma_start3A_432 : memref<128xi32, #tpu.memory_space<vmem>>) semaphore(%arg22 : memref<!tpu.dma_semaphore, #tpu.memory_space<semaphore_mem>>)
      %dma_wait3A_436 = arith.constant 0 : i32
      %dma_wait3A_437 = arith.constant 0 : i32
      %dma_wait3A_438 = arith.constant 0 : i32
      %dma_wait3A_439 = arith.constant 0 : i32
      %dma_wait3A_440 = tpu.memref_slice %arg6[%dma_wait3A_437, %dma_wait3A_438, %dma_wait3A_439] : memref<8x128x64xf32, #tpu.memory_space<vmem>> -> memref<1x128x64xf32, #tpu.memory_space<vmem>>
      %dma_wait3A_441 = tpu.memref_squeeze %dma_wait3A_440 : memref<1x128x64xf32, #tpu.memory_space<vmem>> -> memref<128x64xf32, #tpu.memory_space<vmem>>
      %dma_wait3A_442 = arith.constant 0 : i32
      %dma_wait3A_443 = tpu.memref_slice %arg5[%dma_wait3A_436, %dma_wait3A_442] : memref<8x128xi32, #tpu.memory_space<vmem>> -> memref<1x128xi32, #tpu.memory_space<vmem>>
      %dma_wait3A_444 = tpu.memref_squeeze %dma_wait3A_443 : memref<1x128xi32, #tpu.memory_space<vmem>> -> memref<128xi32, #tpu.memory_space<vmem>>
      %dma_wait3A_445 = arith.constant 0 : i32
      %dma_wait3A_446 = arith.constant 0 : i32
      %dma_wait3A_447 = tpu.memref_slice %arg3[%dma_wait3A_445, %dma_wait3A_446] : memref<30522x64xf32, #tpu.memory_space<hbm>> -> memref<30522x64xf32, #tpu.memory_space<hbm>>
      tpu.wait_indirect_dma semaphore(%arg15 : memref<!tpu.dma_semaphore, #tpu.memory_space<semaphore_mem>>) src(%dma_wait3A_447 : memref<30522x64xf32, #tpu.memory_space<hbm>>) dst(%dma_wait3A_441 : memref<128x64xf32, #tpu.memory_space<vmem>>)
      %mul3A_448 = arith.constant 8 : i32
      %mul3A_449 = arith.muli %scan3A_214, %mul3A_448 : i32
      %add3A_450 = arith.constant 0 : i32
      %add3A_451 = arith.addi %mul3A_449, %add3A_450 : i32
      %mul3A_452 = arith.constant 128 : i32
      %mul3A_453 = arith.muli %add3A_451, %mul3A_452 : i32
      %add3A_454 = arith.addi %mul3A_2, %mul3A_453 : i32
      %dma_start3A_455 = arith.constant 0 : i32
      %dma_start3A_456 = arith.constant 0 : i32
      %dma_start3A_457 = arith.constant 0 : i32
      %dma_start3A_458 = tpu.memref_slice %arg6[%dma_start3A_455, %dma_start3A_456, %dma_start3A_457] : memref<8x128x64xf32, #tpu.memory_space<vmem>> -> memref<1x128x64xf32, #tpu.memory_space<vmem>>
      %dma_start3A_459 = tpu.memref_squeeze %dma_start3A_458 : memref<1x128x64xf32, #tpu.memory_space<vmem>> -> memref<128x64xf32, #tpu.memory_space<vmem>>
      %dma_start3A_460 = arith.constant 0 : i32
      %dma_start3A_461 = tpu.memref_slice %arg4[%add3A_454, %dma_start3A_460] : memref<524288x64xf32, #tpu.memory_space<hbm>> -> memref<128x64xf32, #tpu.memory_space<hbm>>
      %dma_start3A_462 = arith.constant 0 : i32
      %dma_start3A_463 = tpu.memref_slice %arg4[%add3A_454, %dma_start3A_462] : memref<524288x64xf32, #tpu.memory_space<hbm>> -> memref<128x64xf32, #tpu.memory_space<hbm>>
      %dma_start3A_464 = arith.constant 0 : i32
      %dma_start3A_465 = arith.constant 0 : i32
      %dma_start3A_466 = tpu.memref_slice %arg6[%dma_start3A_455, %dma_start3A_464, %dma_start3A_465] : memref<8x128x64xf32, #tpu.memory_space<vmem>> -> memref<1x128x64xf32, #tpu.memory_space<vmem>>
      %dma_start3A_467 = tpu.memref_squeeze %dma_start3A_466 : memref<1x128x64xf32, #tpu.memory_space<vmem>> -> memref<128x64xf32, #tpu.memory_space<vmem>>
      tpu.enqueue_dma source(%dma_start3A_467 : memref<128x64xf32, #tpu.memory_space<vmem>>) target(%dma_start3A_463 : memref<128x64xf32, #tpu.memory_space<hbm>>) target_semaphore(%arg23 : memref<!tpu.dma_semaphore, #tpu.memory_space<semaphore_mem>>)
      %lt3A = arith.constant 15 : i32
      %lt3A_468 = arith.cmpi slt, %scan3A_214, %lt3A : i32
      %convert_element_type3A_469 = arith.extui %lt3A_468 : i1 to i32
      %cond3A_470 = arith.constant 0 : i32
      %cond3A_471 = arith.cmpi ne, %convert_element_type3A_469, %cond3A_470 : i32
      scf.if %cond3A_471 {
        %add3A_731 = arith.constant 1 : i32
        %add3A_732 = arith.addi %scan3A_214, %add3A_731 : i32
        %mul3A_733 = arith.constant 8 : i32
        %mul3A_734 = arith.muli %add3A_732, %mul3A_733 : i32
        %add3A_735 = arith.constant 0 : i32
        %add3A_736 = arith.addi %mul3A_734, %add3A_735 : i32
        %mul3A_737 = arith.constant 128 : i32
        %mul3A_738 = arith.muli %add3A_736, %mul3A_737 : i32
        %add3A_739 = arith.addi %mul3A_2, %mul3A_738 : i32
        %dma_start3A_740 = arith.constant 0 : i32
        %dma_start3A_741 = arith.constant 0 : i32
        %dma_start3A_742 = tpu.memref_slice %arg5[%dma_start3A_740, %dma_start3A_741] : memref<8x128xi32, #tpu.memory_space<vmem>> -> memref<1x128xi32, #tpu.memory_space<vmem>>
        %dma_start3A_743 = tpu.memref_squeeze %dma_start3A_742 : memref<1x128xi32, #tpu.memory_space<vmem>> -> memref<128xi32, #tpu.memory_space<vmem>>
        %dma_start3A_744 = tpu.memref_slice %arg2[%add3A_739] : memref<524288xi32, #tpu.memory_space<hbm>> -> memref<128xi32, #tpu.memory_space<hbm>>
        %dma_start3A_745 = arith.constant 0 : i32
        %dma_start3A_746 = tpu.memref_slice %arg5[%dma_start3A_740, %dma_start3A_745] : memref<8x128xi32, #tpu.memory_space<vmem>> -> memref<1x128xi32, #tpu.memory_space<vmem>>
        %dma_start3A_747 = tpu.memref_squeeze %dma_start3A_746 : memref<1x128xi32, #tpu.memory_space<vmem>> -> memref<128xi32, #tpu.memory_space<vmem>>
        %dma_start3A_748 = tpu.memref_slice %arg2[%add3A_739] : memref<524288xi32, #tpu.memory_space<hbm>> -> memref<128xi32, #tpu.memory_space<hbm>>
        tpu.enqueue_dma source(%dma_start3A_748 : memref<128xi32, #tpu.memory_space<hbm>>) target(%dma_start3A_747 : memref<128xi32, #tpu.memory_space<vmem>>) target_semaphore(%arg7 : memref<!tpu.dma_semaphore, #tpu.memory_space<semaphore_mem>>)
      } else {
      }
      %dma_wait3A_472 = arith.constant 1 : i32
      %dma_wait3A_473 = arith.constant 1 : i32
      %dma_wait3A_474 = arith.constant 0 : i32
      %dma_wait3A_475 = arith.constant 0 : i32
      %dma_wait3A_476 = tpu.memref_slice %arg6[%dma_wait3A_473, %dma_wait3A_474, %dma_wait3A_475] : memref<8x128x64xf32, #tpu.memory_space<vmem>> -> memref<1x128x64xf32, #tpu.memory_space<vmem>>
      %dma_wait3A_477 = tpu.memref_squeeze %dma_wait3A_476 : memref<1x128x64xf32, #tpu.memory_space<vmem>> -> memref<128x64xf32, #tpu.memory_space<vmem>>
      %dma_wait3A_478 = arith.constant 0 : i32
      %dma_wait3A_479 = tpu.memref_slice %arg5[%dma_wait3A_472, %dma_wait3A_478] : memref<8x128xi32, #tpu.memory_space<vmem>> -> memref<1x128xi32, #tpu.memory_space<vmem>>
      %dma_wait3A_480 = tpu.memref_squeeze %dma_wait3A_479 : memref<1x128xi32, #tpu.memory_space<vmem>> -> memref<128xi32, #tpu.memory_space<vmem>>
      %dma_wait3A_481 = arith.constant 0 : i32
      %dma_wait3A_482 = arith.constant 0 : i32
      %dma_wait3A_483 = tpu.memref_slice %arg3[%dma_wait3A_481, %dma_wait3A_482] : memref<30522x64xf32, #tpu.memory_space<hbm>> -> memref<30522x64xf32, #tpu.memory_space<hbm>>
      tpu.wait_indirect_dma semaphore(%arg16 : memref<!tpu.dma_semaphore, #tpu.memory_space<semaphore_mem>>) src(%dma_wait3A_483 : memref<30522x64xf32, #tpu.memory_space<hbm>>) dst(%dma_wait3A_477 : memref<128x64xf32, #tpu.memory_space<vmem>>)
      %mul3A_484 = arith.constant 8 : i32
      %mul3A_485 = arith.muli %scan3A_214, %mul3A_484 : i32
      %add3A_486 = arith.constant 1 : i32
      %add3A_487 = arith.addi %mul3A_485, %add3A_486 : i32
      %mul3A_488 = arith.constant 128 : i32
      %mul3A_489 = arith.muli %add3A_487, %mul3A_488 : i32
      %add3A_490 = arith.addi %mul3A_2, %mul3A_489 : i32
      %dma_start3A_491 = arith.constant 1 : i32
      %dma_start3A_492 = arith.constant 0 : i32
      %dma_start3A_493 = arith.constant 0 : i32
      %dma_start3A_494 = tpu.memref_slice %arg6[%dma_start3A_491, %dma_start3A_492, %dma_start3A_493] : memref<8x128x64xf32, #tpu.memory_space<vmem>> -> memref<1x128x64xf32, #tpu.memory_space<vmem>>
      %dma_start3A_495 = tpu.memref_squeeze %dma_start3A_494 : memref<1x128x64xf32, #tpu.memory_space<vmem>> -> memref<128x64xf32, #tpu.memory_space<vmem>>
      %dma_start3A_496 = arith.constant 0 : i32
      %dma_start3A_497 = tpu.memref_slice %arg4[%add3A_490, %dma_start3A_496] : memref<524288x64xf32, #tpu.memory_space<hbm>> -> memref<128x64xf32, #tpu.memory_space<hbm>>
      %dma_start3A_498 = arith.constant 0 : i32
      %dma_start3A_499 = tpu.memref_slice %arg4[%add3A_490, %dma_start3A_498] : memref<524288x64xf32, #tpu.memory_space<hbm>> -> memref<128x64xf32, #tpu.memory_space<hbm>>
      %dma_start3A_500 = arith.constant 0 : i32
      %dma_start3A_501 = arith.constant 0 : i32
      %dma_start3A_502 = tpu.memref_slice %arg6[%dma_start3A_491, %dma_start3A_500, %dma_start3A_501] : memref<8x128x64xf32, #tpu.memory_space<vmem>> -> memref<1x128x64xf32, #tpu.memory_space<vmem>>
      %dma_start3A_503 = tpu.memref_squeeze %dma_start3A_502 : memref<1x128x64xf32, #tpu.memory_space<vmem>> -> memref<128x64xf32, #tpu.memory_space<vmem>>
      tpu.enqueue_dma source(%dma_start3A_503 : memref<128x64xf32, #tpu.memory_space<vmem>>) target(%dma_start3A_499 : memref<128x64xf32, #tpu.memory_space<hbm>>) target_semaphore(%arg24 : memref<!tpu.dma_semaphore, #tpu.memory_space<semaphore_mem>>)
      %lt3A_504 = arith.constant 15 : i32
      %lt3A_505 = arith.cmpi slt, %scan3A_214, %lt3A_504 : i32
      %convert_element_type3A_506 = arith.extui %lt3A_505 : i1 to i32
      %cond3A_507 = arith.constant 0 : i32
      %cond3A_508 = arith.cmpi ne, %convert_element_type3A_506, %cond3A_507 : i32
      scf.if %cond3A_508 {
        %add3A_731 = arith.constant 1 : i32
        %add3A_732 = arith.addi %scan3A_214, %add3A_731 : i32
        %mul3A_733 = arith.constant 8 : i32
        %mul3A_734 = arith.muli %add3A_732, %mul3A_733 : i32
        %add3A_735 = arith.constant 1 : i32
        %add3A_736 = arith.addi %mul3A_734, %add3A_735 : i32
        %mul3A_737 = arith.constant 128 : i32
        %mul3A_738 = arith.muli %add3A_736, %mul3A_737 : i32
        %add3A_739 = arith.addi %mul3A_2, %mul3A_738 : i32
        %dma_start3A_740 = arith.constant 1 : i32
        %dma_start3A_741 = arith.constant 0 : i32
        %dma_start3A_742 = tpu.memref_slice %arg5[%dma_start3A_740, %dma_start3A_741] : memref<8x128xi32, #tpu.memory_space<vmem>> -> memref<1x128xi32, #tpu.memory_space<vmem>>
        %dma_start3A_743 = tpu.memref_squeeze %dma_start3A_742 : memref<1x128xi32, #tpu.memory_space<vmem>> -> memref<128xi32, #tpu.memory_space<vmem>>
        %dma_start3A_744 = tpu.memref_slice %arg2[%add3A_739] : memref<524288xi32, #tpu.memory_space<hbm>> -> memref<128xi32, #tpu.memory_space<hbm>>
        %dma_start3A_745 = arith.constant 0 : i32
        %dma_start3A_746 = tpu.memref_slice %arg5[%dma_start3A_740, %dma_start3A_745] : memref<8x128xi32, #tpu.memory_space<vmem>> -> memref<1x128xi32, #tpu.memory_space<vmem>>
        %dma_start3A_747 = tpu.memref_squeeze %dma_start3A_746 : memref<1x128xi32, #tpu.memory_space<vmem>> -> memref<128xi32, #tpu.memory_space<vmem>>
        %dma_start3A_748 = tpu.memref_slice %arg2[%add3A_739] : memref<524288xi32, #tpu.memory_space<hbm>> -> memref<128xi32, #tpu.memory_space<hbm>>
        tpu.enqueue_dma source(%dma_start3A_748 : memref<128xi32, #tpu.memory_space<hbm>>) target(%dma_start3A_747 : memref<128xi32, #tpu.memory_space<vmem>>) target_semaphore(%arg8 : memref<!tpu.dma_semaphore, #tpu.memory_space<semaphore_mem>>)
      } else {
      }
      %dma_wait3A_509 = arith.constant 2 : i32
      %dma_wait3A_510 = arith.constant 2 : i32
      %dma_wait3A_511 = arith.constant 0 : i32
      %dma_wait3A_512 = arith.constant 0 : i32
      %dma_wait3A_513 = tpu.memref_slice %arg6[%dma_wait3A_510, %dma_wait3A_511, %dma_wait3A_512] : memref<8x128x64xf32, #tpu.memory_space<vmem>> -> memref<1x128x64xf32, #tpu.memory_space<vmem>>
      %dma_wait3A_514 = tpu.memref_squeeze %dma_wait3A_513 : memref<1x128x64xf32, #tpu.memory_space<vmem>> -> memref<128x64xf32, #tpu.memory_space<vmem>>
      %dma_wait3A_515 = arith.constant 0 : i32
      %dma_wait3A_516 = tpu.memref_slice %arg5[%dma_wait3A_509, %dma_wait3A_515] : memref<8x128xi32, #tpu.memory_space<vmem>> -> memref<1x128xi32, #tpu.memory_space<vmem>>
      %dma_wait3A_517 = tpu.memref_squeeze %dma_wait3A_516 : memref<1x128xi32, #tpu.memory_space<vmem>> -> memref<128xi32, #tpu.memory_space<vmem>>
      %dma_wait3A_518 = arith.constant 0 : i32
      %dma_wait3A_519 = arith.constant 0 : i32
      %dma_wait3A_520 = tpu.memref_slice %arg3[%dma_wait3A_518, %dma_wait3A_519] : memref<30522x64xf32, #tpu.memory_space<hbm>> -> memref<30522x64xf32, #tpu.memory_space<hbm>>
      tpu.wait_indirect_dma semaphore(%arg17 : memref<!tpu.dma_semaphore, #tpu.memory_space<semaphore_mem>>) src(%dma_wait3A_520 : memref<30522x64xf32, #tpu.memory_space<hbm>>) dst(%dma_wait3A_514 : memref<128x64xf32, #tpu.memory_space<vmem>>)
      %mul3A_521 = arith.constant 8 : i32
      %mul3A_522 = arith.muli %scan3A_214, %mul3A_521 : i32
      %add3A_523 = arith.constant 2 : i32
      %add3A_524 = arith.addi %mul3A_522, %add3A_523 : i32
      %mul3A_525 = arith.constant 128 : i32
      %mul3A_526 = arith.muli %add3A_524, %mul3A_525 : i32
      %add3A_527 = arith.addi %mul3A_2, %mul3A_526 : i32
      %dma_start3A_528 = arith.constant 2 : i32
      %dma_start3A_529 = arith.constant 0 : i32
      %dma_start3A_530 = arith.constant 0 : i32
      %dma_start3A_531 = tpu.memref_slice %arg6[%dma_start3A_528, %dma_start3A_529, %dma_start3A_530] : memref<8x128x64xf32, #tpu.memory_space<vmem>> -> memref<1x128x64xf32, #tpu.memory_space<vmem>>
      %dma_start3A_532 = tpu.memref_squeeze %dma_start3A_531 : memref<1x128x64xf32, #tpu.memory_space<vmem>> -> memref<128x64xf32, #tpu.memory_space<vmem>>
      %dma_start3A_533 = arith.constant 0 : i32
      %dma_start3A_534 = tpu.memref_slice %arg4[%add3A_527, %dma_start3A_533] : memref<524288x64xf32, #tpu.memory_space<hbm>> -> memref<128x64xf32, #tpu.memory_space<hbm>>
      %dma_start3A_535 = arith.constant 0 : i32
      %dma_start3A_536 = tpu.memref_slice %arg4[%add3A_527, %dma_start3A_535] : memref<524288x64xf32, #tpu.memory_space<hbm>> -> memref<128x64xf32, #tpu.memory_space<hbm>>
      %dma_start3A_537 = arith.constant 0 : i32
      %dma_start3A_538 = arith.constant 0 : i32
      %dma_start3A_539 = tpu.memref_slice %arg6[%dma_start3A_528, %dma_start3A_537, %dma_start3A_538] : memref<8x128x64xf32, #tpu.memory_space<vmem>> -> memref<1x128x64xf32, #tpu.memory_space<vmem>>
      %dma_start3A_540 = tpu.memref_squeeze %dma_start3A_539 : memref<1x128x64xf32, #tpu.memory_space<vmem>> -> memref<128x64xf32, #tpu.memory_space<vmem>>
      tpu.enqueue_dma source(%dma_start3A_540 : memref<128x64xf32, #tpu.memory_space<vmem>>) target(%dma_start3A_536 : memref<128x64xf32, #tpu.memory_space<hbm>>) target_semaphore(%arg25 : memref<!tpu.dma_semaphore, #tpu.memory_space<semaphore_mem>>)
      %lt3A_541 = arith.constant 15 : i32
      %lt3A_542 = arith.cmpi slt, %scan3A_214, %lt3A_541 : i32
      %convert_element_type3A_543 = arith.extui %lt3A_542 : i1 to i32
      %cond3A_544 = arith.constant 0 : i32
      %cond3A_545 = arith.cmpi ne, %convert_element_type3A_543, %cond3A_544 : i32
      scf.if %cond3A_545 {
        %add3A_731 = arith.constant 1 : i32
        %add3A_732 = arith.addi %scan3A_214, %add3A_731 : i32
        %mul3A_733 = arith.constant 8 : i32
        %mul3A_734 = arith.muli %add3A_732, %mul3A_733 : i32
        %add3A_735 = arith.constant 2 : i32
        %add3A_736 = arith.addi %mul3A_734, %add3A_735 : i32
        %mul3A_737 = arith.constant 128 : i32
        %mul3A_738 = arith.muli %add3A_736, %mul3A_737 : i32
        %add3A_739 = arith.addi %mul3A_2, %mul3A_738 : i32
        %dma_start3A_740 = arith.constant 2 : i32
        %dma_start3A_741 = arith.constant 0 : i32
        %dma_start3A_742 = tpu.memref_slice %arg5[%dma_start3A_740, %dma_start3A_741] : memref<8x128xi32, #tpu.memory_space<vmem>> -> memref<1x128xi32, #tpu.memory_space<vmem>>
        %dma_start3A_743 = tpu.memref_squeeze %dma_start3A_742 : memref<1x128xi32, #tpu.memory_space<vmem>> -> memref<128xi32, #tpu.memory_space<vmem>>
        %dma_start3A_744 = tpu.memref_slice %arg2[%add3A_739] : memref<524288xi32, #tpu.memory_space<hbm>> -> memref<128xi32, #tpu.memory_space<hbm>>
        %dma_start3A_745 = arith.constant 0 : i32
        %dma_start3A_746 = tpu.memref_slice %arg5[%dma_start3A_740, %dma_start3A_745] : memref<8x128xi32, #tpu.memory_space<vmem>> -> memref<1x128xi32, #tpu.memory_space<vmem>>
        %dma_start3A_747 = tpu.memref_squeeze %dma_start3A_746 : memref<1x128xi32, #tpu.memory_space<vmem>> -> memref<128xi32, #tpu.memory_space<vmem>>
        %dma_start3A_748 = tpu.memref_slice %arg2[%add3A_739] : memref<524288xi32, #tpu.memory_space<hbm>> -> memref<128xi32, #tpu.memory_space<hbm>>
        tpu.enqueue_dma source(%dma_start3A_748 : memref<128xi32, #tpu.memory_space<hbm>>) target(%dma_start3A_747 : memref<128xi32, #tpu.memory_space<vmem>>) target_semaphore(%arg9 : memref<!tpu.dma_semaphore, #tpu.memory_space<semaphore_mem>>)
      } else {
      }
      %dma_wait3A_546 = arith.constant 3 : i32
      %dma_wait3A_547 = arith.constant 3 : i32
      %dma_wait3A_548 = arith.constant 0 : i32
      %dma_wait3A_549 = arith.constant 0 : i32
      %dma_wait3A_550 = tpu.memref_slice %arg6[%dma_wait3A_547, %dma_wait3A_548, %dma_wait3A_549] : memref<8x128x64xf32, #tpu.memory_space<vmem>> -> memref<1x128x64xf32, #tpu.memory_space<vmem>>
      %dma_wait3A_551 = tpu.memref_squeeze %dma_wait3A_550 : memref<1x128x64xf32, #tpu.memory_space<vmem>> -> memref<128x64xf32, #tpu.memory_space<vmem>>
      %dma_wait3A_552 = arith.constant 0 : i32
      %dma_wait3A_553 = tpu.memref_slice %arg5[%dma_wait3A_546, %dma_wait3A_552] : memref<8x128xi32, #tpu.memory_space<vmem>> -> memref<1x128xi32, #tpu.memory_space<vmem>>
      %dma_wait3A_554 = tpu.memref_squeeze %dma_wait3A_553 : memref<1x128xi32, #tpu.memory_space<vmem>> -> memref<128xi32, #tpu.memory_space<vmem>>
      %dma_wait3A_555 = arith.constant 0 : i32
      %dma_wait3A_556 = arith.constant 0 : i32
      %dma_wait3A_557 = tpu.memref_slice %arg3[%dma_wait3A_555, %dma_wait3A_556] : memref<30522x64xf32, #tpu.memory_space<hbm>> -> memref<30522x64xf32, #tpu.memory_space<hbm>>
      tpu.wait_indirect_dma semaphore(%arg18 : memref<!tpu.dma_semaphore, #tpu.memory_space<semaphore_mem>>) src(%dma_wait3A_557 : memref<30522x64xf32, #tpu.memory_space<hbm>>) dst(%dma_wait3A_551 : memref<128x64xf32, #tpu.memory_space<vmem>>)
      %mul3A_558 = arith.constant 8 : i32
      %mul3A_559 = arith.muli %scan3A_214, %mul3A_558 : i32
      %add3A_560 = arith.constant 3 : i32
      %add3A_561 = arith.addi %mul3A_559, %add3A_560 : i32
      %mul3A_562 = arith.constant 128 : i32
      %mul3A_563 = arith.muli %add3A_561, %mul3A_562 : i32
      %add3A_564 = arith.addi %mul3A_2, %mul3A_563 : i32
      %dma_start3A_565 = arith.constant 3 : i32
      %dma_start3A_566 = arith.constant 0 : i32
      %dma_start3A_567 = arith.constant 0 : i32
      %dma_start3A_568 = tpu.memref_slice %arg6[%dma_start3A_565, %dma_start3A_566, %dma_start3A_567] : memref<8x128x64xf32, #tpu.memory_space<vmem>> -> memref<1x128x64xf32, #tpu.memory_space<vmem>>
      %dma_start3A_569 = tpu.memref_squeeze %dma_start3A_568 : memref<1x128x64xf32, #tpu.memory_space<vmem>> -> memref<128x64xf32, #tpu.memory_space<vmem>>
      %dma_start3A_570 = arith.constant 0 : i32
      %dma_start3A_571 = tpu.memref_slice %arg4[%add3A_564, %dma_start3A_570] : memref<524288x64xf32, #tpu.memory_space<hbm>> -> memref<128x64xf32, #tpu.memory_space<hbm>>
      %dma_start3A_572 = arith.constant 0 : i32
      %dma_start3A_573 = tpu.memref_slice %arg4[%add3A_564, %dma_start3A_572] : memref<524288x64xf32, #tpu.memory_space<hbm>> -> memref<128x64xf32, #tpu.memory_space<hbm>>
      %dma_start3A_574 = arith.constant 0 : i32
      %dma_start3A_575 = arith.constant 0 : i32
      %dma_start3A_576 = tpu.memref_slice %arg6[%dma_start3A_565, %dma_start3A_574, %dma_start3A_575] : memref<8x128x64xf32, #tpu.memory_space<vmem>> -> memref<1x128x64xf32, #tpu.memory_space<vmem>>
      %dma_start3A_577 = tpu.memref_squeeze %dma_start3A_576 : memref<1x128x64xf32, #tpu.memory_space<vmem>> -> memref<128x64xf32, #tpu.memory_space<vmem>>
      tpu.enqueue_dma source(%dma_start3A_577 : memref<128x64xf32, #tpu.memory_space<vmem>>) target(%dma_start3A_573 : memref<128x64xf32, #tpu.memory_space<hbm>>) target_semaphore(%arg26 : memref<!tpu.dma_semaphore, #tpu.memory_space<semaphore_mem>>)
      %lt3A_578 = arith.constant 15 : i32
      %lt3A_579 = arith.cmpi slt, %scan3A_214, %lt3A_578 : i32
      %convert_element_type3A_580 = arith.extui %lt3A_579 : i1 to i32
      %cond3A_581 = arith.constant 0 : i32
      %cond3A_582 = arith.cmpi ne, %convert_element_type3A_580, %cond3A_581 : i32
      scf.if %cond3A_582 {
        %add3A_731 = arith.constant 1 : i32
        %add3A_732 = arith.addi %scan3A_214, %add3A_731 : i32
        %mul3A_733 = arith.constant 8 : i32
        %mul3A_734 = arith.muli %add3A_732, %mul3A_733 : i32
        %add3A_735 = arith.constant 3 : i32
        %add3A_736 = arith.addi %mul3A_734, %add3A_735 : i32
        %mul3A_737 = arith.constant 128 : i32
        %mul3A_738 = arith.muli %add3A_736, %mul3A_737 : i32
        %add3A_739 = arith.addi %mul3A_2, %mul3A_738 : i32
        %dma_start3A_740 = arith.constant 3 : i32
        %dma_start3A_741 = arith.constant 0 : i32
        %dma_start3A_742 = tpu.memref_slice %arg5[%dma_start3A_740, %dma_start3A_741] : memref<8x128xi32, #tpu.memory_space<vmem>> -> memref<1x128xi32, #tpu.memory_space<vmem>>
        %dma_start3A_743 = tpu.memref_squeeze %dma_start3A_742 : memref<1x128xi32, #tpu.memory_space<vmem>> -> memref<128xi32, #tpu.memory_space<vmem>>
        %dma_start3A_744 = tpu.memref_slice %arg2[%add3A_739] : memref<524288xi32, #tpu.memory_space<hbm>> -> memref<128xi32, #tpu.memory_space<hbm>>
        %dma_start3A_745 = arith.constant 0 : i32
        %dma_start3A_746 = tpu.memref_slice %arg5[%dma_start3A_740, %dma_start3A_745] : memref<8x128xi32, #tpu.memory_space<vmem>> -> memref<1x128xi32, #tpu.memory_space<vmem>>
        %dma_start3A_747 = tpu.memref_squeeze %dma_start3A_746 : memref<1x128xi32, #tpu.memory_space<vmem>> -> memref<128xi32, #tpu.memory_space<vmem>>
        %dma_start3A_748 = tpu.memref_slice %arg2[%add3A_739] : memref<524288xi32, #tpu.memory_space<hbm>> -> memref<128xi32, #tpu.memory_space<hbm>>
        tpu.enqueue_dma source(%dma_start3A_748 : memref<128xi32, #tpu.memory_space<hbm>>) target(%dma_start3A_747 : memref<128xi32, #tpu.memory_space<vmem>>) target_semaphore(%arg10 : memref<!tpu.dma_semaphore, #tpu.memory_space<semaphore_mem>>)
      } else {
      }
      %dma_wait3A_583 = arith.constant 4 : i32
      %dma_wait3A_584 = arith.constant 4 : i32
      %dma_wait3A_585 = arith.constant 0 : i32
      %dma_wait3A_586 = arith.constant 0 : i32
      %dma_wait3A_587 = tpu.memref_slice %arg6[%dma_wait3A_584, %dma_wait3A_585, %dma_wait3A_586] : memref<8x128x64xf32, #tpu.memory_space<vmem>> -> memref<1x128x64xf32, #tpu.memory_space<vmem>>
      %dma_wait3A_588 = tpu.memref_squeeze %dma_wait3A_587 : memref<1x128x64xf32, #tpu.memory_space<vmem>> -> memref<128x64xf32, #tpu.memory_space<vmem>>
      %dma_wait3A_589 = arith.constant 0 : i32
      %dma_wait3A_590 = tpu.memref_slice %arg5[%dma_wait3A_583, %dma_wait3A_589] : memref<8x128xi32, #tpu.memory_space<vmem>> -> memref<1x128xi32, #tpu.memory_space<vmem>>
      %dma_wait3A_591 = tpu.memref_squeeze %dma_wait3A_590 : memref<1x128xi32, #tpu.memory_space<vmem>> -> memref<128xi32, #tpu.memory_space<vmem>>
      %dma_wait3A_592 = arith.constant 0 : i32
      %dma_wait3A_593 = arith.constant 0 : i32
      %dma_wait3A_594 = tpu.memref_slice %arg3[%dma_wait3A_592, %dma_wait3A_593] : memref<30522x64xf32, #tpu.memory_space<hbm>> -> memref<30522x64xf32, #tpu.memory_space<hbm>>
      tpu.wait_indirect_dma semaphore(%arg19 : memref<!tpu.dma_semaphore, #tpu.memory_space<semaphore_mem>>) src(%dma_wait3A_594 : memref<30522x64xf32, #tpu.memory_space<hbm>>) dst(%dma_wait3A_588 : memref<128x64xf32, #tpu.memory_space<vmem>>)
      %mul3A_595 = arith.constant 8 : i32
      %mul3A_596 = arith.muli %scan3A_214, %mul3A_595 : i32
      %add3A_597 = arith.constant 4 : i32
      %add3A_598 = arith.addi %mul3A_596, %add3A_597 : i32
      %mul3A_599 = arith.constant 128 : i32
      %mul3A_600 = arith.muli %add3A_598, %mul3A_599 : i32
      %add3A_601 = arith.addi %mul3A_2, %mul3A_600 : i32
      %dma_start3A_602 = arith.constant 4 : i32
      %dma_start3A_603 = arith.constant 0 : i32
      %dma_start3A_604 = arith.constant 0 : i32
      %dma_start3A_605 = tpu.memref_slice %arg6[%dma_start3A_602, %dma_start3A_603, %dma_start3A_604] : memref<8x128x64xf32, #tpu.memory_space<vmem>> -> memref<1x128x64xf32, #tpu.memory_space<vmem>>
      %dma_start3A_606 = tpu.memref_squeeze %dma_start3A_605 : memref<1x128x64xf32, #tpu.memory_space<vmem>> -> memref<128x64xf32, #tpu.memory_space<vmem>>
      %dma_start3A_607 = arith.constant 0 : i32
      %dma_start3A_608 = tpu.memref_slice %arg4[%add3A_601, %dma_start3A_607] : memref<524288x64xf32, #tpu.memory_space<hbm>> -> memref<128x64xf32, #tpu.memory_space<hbm>>
      %dma_start3A_609 = arith.constant 0 : i32
      %dma_start3A_610 = tpu.memref_slice %arg4[%add3A_601, %dma_start3A_609] : memref<524288x64xf32, #tpu.memory_space<hbm>> -> memref<128x64xf32, #tpu.memory_space<hbm>>
      %dma_start3A_611 = arith.constant 0 : i32
      %dma_start3A_612 = arith.constant 0 : i32
      %dma_start3A_613 = tpu.memref_slice %arg6[%dma_start3A_602, %dma_start3A_611, %dma_start3A_612] : memref<8x128x64xf32, #tpu.memory_space<vmem>> -> memref<1x128x64xf32, #tpu.memory_space<vmem>>
      %dma_start3A_614 = tpu.memref_squeeze %dma_start3A_613 : memref<1x128x64xf32, #tpu.memory_space<vmem>> -> memref<128x64xf32, #tpu.memory_space<vmem>>
      tpu.enqueue_dma source(%dma_start3A_614 : memref<128x64xf32, #tpu.memory_space<vmem>>) target(%dma_start3A_610 : memref<128x64xf32, #tpu.memory_space<hbm>>) target_semaphore(%arg27 : memref<!tpu.dma_semaphore, #tpu.memory_space<semaphore_mem>>)
      %lt3A_615 = arith.constant 15 : i32
      %lt3A_616 = arith.cmpi slt, %scan3A_214, %lt3A_615 : i32
      %convert_element_type3A_617 = arith.extui %lt3A_616 : i1 to i32
      %cond3A_618 = arith.constant 0 : i32
      %cond3A_619 = arith.cmpi ne, %convert_element_type3A_617, %cond3A_618 : i32
      scf.if %cond3A_619 {
        %add3A_731 = arith.constant 1 : i32
        %add3A_732 = arith.addi %scan3A_214, %add3A_731 : i32
        %mul3A_733 = arith.constant 8 : i32
        %mul3A_734 = arith.muli %add3A_732, %mul3A_733 : i32
        %add3A_735 = arith.constant 4 : i32
        %add3A_736 = arith.addi %mul3A_734, %add3A_735 : i32
        %mul3A_737 = arith.constant 128 : i32
        %mul3A_738 = arith.muli %add3A_736, %mul3A_737 : i32
        %add3A_739 = arith.addi %mul3A_2, %mul3A_738 : i32
        %dma_start3A_740 = arith.constant 4 : i32
        %dma_start3A_741 = arith.constant 0 : i32
        %dma_start3A_742 = tpu.memref_slice %arg5[%dma_start3A_740, %dma_start3A_741] : memref<8x128xi32, #tpu.memory_space<vmem>> -> memref<1x128xi32, #tpu.memory_space<vmem>>
        %dma_start3A_743 = tpu.memref_squeeze %dma_start3A_742 : memref<1x128xi32, #tpu.memory_space<vmem>> -> memref<128xi32, #tpu.memory_space<vmem>>
        %dma_start3A_744 = tpu.memref_slice %arg2[%add3A_739] : memref<524288xi32, #tpu.memory_space<hbm>> -> memref<128xi32, #tpu.memory_space<hbm>>
        %dma_start3A_745 = arith.constant 0 : i32
        %dma_start3A_746 = tpu.memref_slice %arg5[%dma_start3A_740, %dma_start3A_745] : memref<8x128xi32, #tpu.memory_space<vmem>> -> memref<1x128xi32, #tpu.memory_space<vmem>>
        %dma_start3A_747 = tpu.memref_squeeze %dma_start3A_746 : memref<1x128xi32, #tpu.memory_space<vmem>> -> memref<128xi32, #tpu.memory_space<vmem>>
        %dma_start3A_748 = tpu.memref_slice %arg2[%add3A_739] : memref<524288xi32, #tpu.memory_space<hbm>> -> memref<128xi32, #tpu.memory_space<hbm>>
        tpu.enqueue_dma source(%dma_start3A_748 : memref<128xi32, #tpu.memory_space<hbm>>) target(%dma_start3A_747 : memref<128xi32, #tpu.memory_space<vmem>>) target_semaphore(%arg11 : memref<!tpu.dma_semaphore, #tpu.memory_space<semaphore_mem>>)
      } else {
      }
      %dma_wait3A_620 = arith.constant 5 : i32
      %dma_wait3A_621 = arith.constant 5 : i32
      %dma_wait3A_622 = arith.constant 0 : i32
      %dma_wait3A_623 = arith.constant 0 : i32
      %dma_wait3A_624 = tpu.memref_slice %arg6[%dma_wait3A_621, %dma_wait3A_622, %dma_wait3A_623] : memref<8x128x64xf32, #tpu.memory_space<vmem>> -> memref<1x128x64xf32, #tpu.memory_space<vmem>>
      %dma_wait3A_625 = tpu.memref_squeeze %dma_wait3A_624 : memref<1x128x64xf32, #tpu.memory_space<vmem>> -> memref<128x64xf32, #tpu.memory_space<vmem>>
      %dma_wait3A_626 = arith.constant 0 : i32
      %dma_wait3A_627 = tpu.memref_slice %arg5[%dma_wait3A_620, %dma_wait3A_626] : memref<8x128xi32, #tpu.memory_space<vmem>> -> memref<1x128xi32, #tpu.memory_space<vmem>>
      %dma_wait3A_628 = tpu.memref_squeeze %dma_wait3A_627 : memref<1x128xi32, #tpu.memory_space<vmem>> -> memref<128xi32, #tpu.memory_space<vmem>>
      %dma_wait3A_629 = arith.constant 0 : i32
      %dma_wait3A_630 = arith.constant 0 : i32
      %dma_wait3A_631 = tpu.memref_slice %arg3[%dma_wait3A_629, %dma_wait3A_630] : memref<30522x64xf32, #tpu.memory_space<hbm>> -> memref<30522x64xf32, #tpu.memory_space<hbm>>
      tpu.wait_indirect_dma semaphore(%arg20 : memref<!tpu.dma_semaphore, #tpu.memory_space<semaphore_mem>>) src(%dma_wait3A_631 : memref<30522x64xf32, #tpu.memory_space<hbm>>) dst(%dma_wait3A_625 : memref<128x64xf32, #tpu.memory_space<vmem>>)
      %mul3A_632 = arith.constant 8 : i32
      %mul3A_633 = arith.muli %scan3A_214, %mul3A_632 : i32
      %add3A_634 = arith.constant 5 : i32
      %add3A_635 = arith.addi %mul3A_633, %add3A_634 : i32
      %mul3A_636 = arith.constant 128 : i32
      %mul3A_637 = arith.muli %add3A_635, %mul3A_636 : i32
      %add3A_638 = arith.addi %mul3A_2, %mul3A_637 : i32
      %dma_start3A_639 = arith.constant 5 : i32
      %dma_start3A_640 = arith.constant 0 : i32
      %dma_start3A_641 = arith.constant 0 : i32
      %dma_start3A_642 = tpu.memref_slice %arg6[%dma_start3A_639, %dma_start3A_640, %dma_start3A_641] : memref<8x128x64xf32, #tpu.memory_space<vmem>> -> memref<1x128x64xf32, #tpu.memory_space<vmem>>
      %dma_start3A_643 = tpu.memref_squeeze %dma_start3A_642 : memref<1x128x64xf32, #tpu.memory_space<vmem>> -> memref<128x64xf32, #tpu.memory_space<vmem>>
      %dma_start3A_644 = arith.constant 0 : i32
      %dma_start3A_645 = tpu.memref_slice %arg4[%add3A_638, %dma_start3A_644] : memref<524288x64xf32, #tpu.memory_space<hbm>> -> memref<128x64xf32, #tpu.memory_space<hbm>>
      %dma_start3A_646 = arith.constant 0 : i32
      %dma_start3A_647 = tpu.memref_slice %arg4[%add3A_638, %dma_start3A_646] : memref<524288x64xf32, #tpu.memory_space<hbm>> -> memref<128x64xf32, #tpu.memory_space<hbm>>
      %dma_start3A_648 = arith.constant 0 : i32
      %dma_start3A_649 = arith.constant 0 : i32
      %dma_start3A_650 = tpu.memref_slice %arg6[%dma_start3A_639, %dma_start3A_648, %dma_start3A_649] : memref<8x128x64xf32, #tpu.memory_space<vmem>> -> memref<1x128x64xf32, #tpu.memory_space<vmem>>
      %dma_start3A_651 = tpu.memref_squeeze %dma_start3A_650 : memref<1x128x64xf32, #tpu.memory_space<vmem>> -> memref<128x64xf32, #tpu.memory_space<vmem>>
      tpu.enqueue_dma source(%dma_start3A_651 : memref<128x64xf32, #tpu.memory_space<vmem>>) target(%dma_start3A_647 : memref<128x64xf32, #tpu.memory_space<hbm>>) target_semaphore(%arg28 : memref<!tpu.dma_semaphore, #tpu.memory_space<semaphore_mem>>)
      %lt3A_652 = arith.constant 15 : i32
      %lt3A_653 = arith.cmpi slt, %scan3A_214, %lt3A_652 : i32
      %convert_element_type3A_654 = arith.extui %lt3A_653 : i1 to i32
      %cond3A_655 = arith.constant 0 : i32
      %cond3A_656 = arith.cmpi ne, %convert_element_type3A_654, %cond3A_655 : i32
      scf.if %cond3A_656 {
        %add3A_731 = arith.constant 1 : i32
        %add3A_732 = arith.addi %scan3A_214, %add3A_731 : i32
        %mul3A_733 = arith.constant 8 : i32
        %mul3A_734 = arith.muli %add3A_732, %mul3A_733 : i32
        %add3A_735 = arith.constant 5 : i32
        %add3A_736 = arith.addi %mul3A_734, %add3A_735 : i32
        %mul3A_737 = arith.constant 128 : i32
        %mul3A_738 = arith.muli %add3A_736, %mul3A_737 : i32
        %add3A_739 = arith.addi %mul3A_2, %mul3A_738 : i32
        %dma_start3A_740 = arith.constant 5 : i32
        %dma_start3A_741 = arith.constant 0 : i32
        %dma_start3A_742 = tpu.memref_slice %arg5[%dma_start3A_740, %dma_start3A_741] : memref<8x128xi32, #tpu.memory_space<vmem>> -> memref<1x128xi32, #tpu.memory_space<vmem>>
        %dma_start3A_743 = tpu.memref_squeeze %dma_start3A_742 : memref<1x128xi32, #tpu.memory_space<vmem>> -> memref<128xi32, #tpu.memory_space<vmem>>
        %dma_start3A_744 = tpu.memref_slice %arg2[%add3A_739] : memref<524288xi32, #tpu.memory_space<hbm>> -> memref<128xi32, #tpu.memory_space<hbm>>
        %dma_start3A_745 = arith.constant 0 : i32
        %dma_start3A_746 = tpu.memref_slice %arg5[%dma_start3A_740, %dma_start3A_745] : memref<8x128xi32, #tpu.memory_space<vmem>> -> memref<1x128xi32, #tpu.memory_space<vmem>>
        %dma_start3A_747 = tpu.memref_squeeze %dma_start3A_746 : memref<1x128xi32, #tpu.memory_space<vmem>> -> memref<128xi32, #tpu.memory_space<vmem>>
        %dma_start3A_748 = tpu.memref_slice %arg2[%add3A_739] : memref<524288xi32, #tpu.memory_space<hbm>> -> memref<128xi32, #tpu.memory_space<hbm>>
        tpu.enqueue_dma source(%dma_start3A_748 : memref<128xi32, #tpu.memory_space<hbm>>) target(%dma_start3A_747 : memref<128xi32, #tpu.memory_space<vmem>>) target_semaphore(%arg12 : memref<!tpu.dma_semaphore, #tpu.memory_space<semaphore_mem>>)
      } else {
      }
      %dma_wait3A_657 = arith.constant 6 : i32
      %dma_wait3A_658 = arith.constant 6 : i32
      %dma_wait3A_659 = arith.constant 0 : i32
      %dma_wait3A_660 = arith.constant 0 : i32
      %dma_wait3A_661 = tpu.memref_slice %arg6[%dma_wait3A_658, %dma_wait3A_659, %dma_wait3A_660] : memref<8x128x64xf32, #tpu.memory_space<vmem>> -> memref<1x128x64xf32, #tpu.memory_space<vmem>>
      %dma_wait3A_662 = tpu.memref_squeeze %dma_wait3A_661 : memref<1x128x64xf32, #tpu.memory_space<vmem>> -> memref<128x64xf32, #tpu.memory_space<vmem>>
      %dma_wait3A_663 = arith.constant 0 : i32
      %dma_wait3A_664 = tpu.memref_slice %arg5[%dma_wait3A_657, %dma_wait3A_663] : memref<8x128xi32, #tpu.memory_space<vmem>> -> memref<1x128xi32, #tpu.memory_space<vmem>>
      %dma_wait3A_665 = tpu.memref_squeeze %dma_wait3A_664 : memref<1x128xi32, #tpu.memory_space<vmem>> -> memref<128xi32, #tpu.memory_space<vmem>>
      %dma_wait3A_666 = arith.constant 0 : i32
      %dma_wait3A_667 = arith.constant 0 : i32
      %dma_wait3A_668 = tpu.memref_slice %arg3[%dma_wait3A_666, %dma_wait3A_667] : memref<30522x64xf32, #tpu.memory_space<hbm>> -> memref<30522x64xf32, #tpu.memory_space<hbm>>
      tpu.wait_indirect_dma semaphore(%arg21 : memref<!tpu.dma_semaphore, #tpu.memory_space<semaphore_mem>>) src(%dma_wait3A_668 : memref<30522x64xf32, #tpu.memory_space<hbm>>) dst(%dma_wait3A_662 : memref<128x64xf32, #tpu.memory_space<vmem>>)
      %mul3A_669 = arith.constant 8 : i32
      %mul3A_670 = arith.muli %scan3A_214, %mul3A_669 : i32
      %add3A_671 = arith.constant 6 : i32
      %add3A_672 = arith.addi %mul3A_670, %add3A_671 : i32
      %mul3A_673 = arith.constant 128 : i32
      %mul3A_674 = arith.muli %add3A_672, %mul3A_673 : i32
      %add3A_675 = arith.addi %mul3A_2, %mul3A_674 : i32
      %dma_start3A_676 = arith.constant 6 : i32
      %dma_start3A_677 = arith.constant 0 : i32
      %dma_start3A_678 = arith.constant 0 : i32
      %dma_start3A_679 = tpu.memref_slice %arg6[%dma_start3A_676, %dma_start3A_677, %dma_start3A_678] : memref<8x128x64xf32, #tpu.memory_space<vmem>> -> memref<1x128x64xf32, #tpu.memory_space<vmem>>
      %dma_start3A_680 = tpu.memref_squeeze %dma_start3A_679 : memref<1x128x64xf32, #tpu.memory_space<vmem>> -> memref<128x64xf32, #tpu.memory_space<vmem>>
      %dma_start3A_681 = arith.constant 0 : i32
      %dma_start3A_682 = tpu.memref_slice %arg4[%add3A_675, %dma_start3A_681] : memref<524288x64xf32, #tpu.memory_space<hbm>> -> memref<128x64xf32, #tpu.memory_space<hbm>>
      %dma_start3A_683 = arith.constant 0 : i32
      %dma_start3A_684 = tpu.memref_slice %arg4[%add3A_675, %dma_start3A_683] : memref<524288x64xf32, #tpu.memory_space<hbm>> -> memref<128x64xf32, #tpu.memory_space<hbm>>
      %dma_start3A_685 = arith.constant 0 : i32
      %dma_start3A_686 = arith.constant 0 : i32
      %dma_start3A_687 = tpu.memref_slice %arg6[%dma_start3A_676, %dma_start3A_685, %dma_start3A_686] : memref<8x128x64xf32, #tpu.memory_space<vmem>> -> memref<1x128x64xf32, #tpu.memory_space<vmem>>
      %dma_start3A_688 = tpu.memref_squeeze %dma_start3A_687 : memref<1x128x64xf32, #tpu.memory_space<vmem>> -> memref<128x64xf32, #tpu.memory_space<vmem>>
      tpu.enqueue_dma source(%dma_start3A_688 : memref<128x64xf32, #tpu.memory_space<vmem>>) target(%dma_start3A_684 : memref<128x64xf32, #tpu.memory_space<hbm>>) target_semaphore(%arg29 : memref<!tpu.dma_semaphore, #tpu.memory_space<semaphore_mem>>)
      %lt3A_689 = arith.constant 15 : i32
      %lt3A_690 = arith.cmpi slt, %scan3A_214, %lt3A_689 : i32
      %convert_element_type3A_691 = arith.extui %lt3A_690 : i1 to i32
      %cond3A_692 = arith.constant 0 : i32
      %cond3A_693 = arith.cmpi ne, %convert_element_type3A_691, %cond3A_692 : i32
      scf.if %cond3A_693 {
        %add3A_731 = arith.constant 1 : i32
        %add3A_732 = arith.addi %scan3A_214, %add3A_731 : i32
        %mul3A_733 = arith.constant 8 : i32
        %mul3A_734 = arith.muli %add3A_732, %mul3A_733 : i32
        %add3A_735 = arith.constant 6 : i32
        %add3A_736 = arith.addi %mul3A_734, %add3A_735 : i32
        %mul3A_737 = arith.constant 128 : i32
        %mul3A_738 = arith.muli %add3A_736, %mul3A_737 : i32
        %add3A_739 = arith.addi %mul3A_2, %mul3A_738 : i32
        %dma_start3A_740 = arith.constant 6 : i32
        %dma_start3A_741 = arith.constant 0 : i32
        %dma_start3A_742 = tpu.memref_slice %arg5[%dma_start3A_740, %dma_start3A_741] : memref<8x128xi32, #tpu.memory_space<vmem>> -> memref<1x128xi32, #tpu.memory_space<vmem>>
        %dma_start3A_743 = tpu.memref_squeeze %dma_start3A_742 : memref<1x128xi32, #tpu.memory_space<vmem>> -> memref<128xi32, #tpu.memory_space<vmem>>
        %dma_start3A_744 = tpu.memref_slice %arg2[%add3A_739] : memref<524288xi32, #tpu.memory_space<hbm>> -> memref<128xi32, #tpu.memory_space<hbm>>
        %dma_start3A_745 = arith.constant 0 : i32
        %dma_start3A_746 = tpu.memref_slice %arg5[%dma_start3A_740, %dma_start3A_745] : memref<8x128xi32, #tpu.memory_space<vmem>> -> memref<1x128xi32, #tpu.memory_space<vmem>>
        %dma_start3A_747 = tpu.memref_squeeze %dma_start3A_746 : memref<1x128xi32, #tpu.memory_space<vmem>> -> memref<128xi32, #tpu.memory_space<vmem>>
        %dma_start3A_748 = tpu.memref_slice %arg2[%add3A_739] : memref<524288xi32, #tpu.memory_space<hbm>> -> memref<128xi32, #tpu.memory_space<hbm>>
        tpu.enqueue_dma source(%dma_start3A_748 : memref<128xi32, #tpu.memory_space<hbm>>) target(%dma_start3A_747 : memref<128xi32, #tpu.memory_space<vmem>>) target_semaphore(%arg13 : memref<!tpu.dma_semaphore, #tpu.memory_space<semaphore_mem>>)
      } else {
      }
      %dma_wait3A_694 = arith.constant 7 : i32
      %dma_wait3A_695 = arith.constant 7 : i32
      %dma_wait3A_696 = arith.constant 0 : i32
      %dma_wait3A_697 = arith.constant 0 : i32
      %dma_wait3A_698 = tpu.memref_slice %arg6[%dma_wait3A_695, %dma_wait3A_696, %dma_wait3A_697] : memref<8x128x64xf32, #tpu.memory_space<vmem>> -> memref<1x128x64xf32, #tpu.memory_space<vmem>>
      %dma_wait3A_699 = tpu.memref_squeeze %dma_wait3A_698 : memref<1x128x64xf32, #tpu.memory_space<vmem>> -> memref<128x64xf32, #tpu.memory_space<vmem>>
      %dma_wait3A_700 = arith.constant 0 : i32
      %dma_wait3A_701 = tpu.memref_slice %arg5[%dma_wait3A_694, %dma_wait3A_700] : memref<8x128xi32, #tpu.memory_space<vmem>> -> memref<1x128xi32, #tpu.memory_space<vmem>>
      %dma_wait3A_702 = tpu.memref_squeeze %dma_wait3A_701 : memref<1x128xi32, #tpu.memory_space<vmem>> -> memref<128xi32, #tpu.memory_space<vmem>>
      %dma_wait3A_703 = arith.constant 0 : i32
      %dma_wait3A_704 = arith.constant 0 : i32
      %dma_wait3A_705 = tpu.memref_slice %arg3[%dma_wait3A_703, %dma_wait3A_704] : memref<30522x64xf32, #tpu.memory_space<hbm>> -> memref<30522x64xf32, #tpu.memory_space<hbm>>
      tpu.wait_indirect_dma semaphore(%arg22 : memref<!tpu.dma_semaphore, #tpu.memory_space<semaphore_mem>>) src(%dma_wait3A_705 : memref<30522x64xf32, #tpu.memory_space<hbm>>) dst(%dma_wait3A_699 : memref<128x64xf32, #tpu.memory_space<vmem>>)
      %mul3A_706 = arith.constant 8 : i32
      %mul3A_707 = arith.muli %scan3A_214, %mul3A_706 : i32
      %add3A_708 = arith.constant 7 : i32
      %add3A_709 = arith.addi %mul3A_707, %add3A_708 : i32
      %mul3A_710 = arith.constant 128 : i32
      %mul3A_711 = arith.muli %add3A_709, %mul3A_710 : i32
      %add3A_712 = arith.addi %mul3A_2, %mul3A_711 : i32
      %dma_start3A_713 = arith.constant 7 : i32
      %dma_start3A_714 = arith.constant 0 : i32
      %dma_start3A_715 = arith.constant 0 : i32
      %dma_start3A_716 = tpu.memref_slice %arg6[%dma_start3A_713, %dma_start3A_714, %dma_start3A_715] : memref<8x128x64xf32, #tpu.memory_space<vmem>> -> memref<1x128x64xf32, #tpu.memory_space<vmem>>
      %dma_start3A_717 = tpu.memref_squeeze %dma_start3A_716 : memref<1x128x64xf32, #tpu.memory_space<vmem>> -> memref<128x64xf32, #tpu.memory_space<vmem>>
      %dma_start3A_718 = arith.constant 0 : i32
      %dma_start3A_719 = tpu.memref_slice %arg4[%add3A_712, %dma_start3A_718] : memref<524288x64xf32, #tpu.memory_space<hbm>> -> memref<128x64xf32, #tpu.memory_space<hbm>>
      %dma_start3A_720 = arith.constant 0 : i32
      %dma_start3A_721 = tpu.memref_slice %arg4[%add3A_712, %dma_start3A_720] : memref<524288x64xf32, #tpu.memory_space<hbm>> -> memref<128x64xf32, #tpu.memory_space<hbm>>
      %dma_start3A_722 = arith.constant 0 : i32
      %dma_start3A_723 = arith.constant 0 : i32
      %dma_start3A_724 = tpu.memref_slice %arg6[%dma_start3A_713, %dma_start3A_722, %dma_start3A_723] : memref<8x128x64xf32, #tpu.memory_space<vmem>> -> memref<1x128x64xf32, #tpu.memory_space<vmem>>
      %dma_start3A_725 = tpu.memref_squeeze %dma_start3A_724 : memref<1x128x64xf32, #tpu.memory_space<vmem>> -> memref<128x64xf32, #tpu.memory_space<vmem>>
      tpu.enqueue_dma source(%dma_start3A_725 : memref<128x64xf32, #tpu.memory_space<vmem>>) target(%dma_start3A_721 : memref<128x64xf32, #tpu.memory_space<hbm>>) target_semaphore(%arg30 : memref<!tpu.dma_semaphore, #tpu.memory_space<semaphore_mem>>)
      %lt3A_726 = arith.constant 15 : i32
      %lt3A_727 = arith.cmpi slt, %scan3A_214, %lt3A_726 : i32
      %convert_element_type3A_728 = arith.extui %lt3A_727 : i1 to i32
      %cond3A_729 = arith.constant 0 : i32
      %cond3A_730 = arith.cmpi ne, %convert_element_type3A_728, %cond3A_729 : i32
      scf.if %cond3A_730 {
        %add3A_731 = arith.constant 1 : i32
        %add3A_732 = arith.addi %scan3A_214, %add3A_731 : i32
        %mul3A_733 = arith.constant 8 : i32
        %mul3A_734 = arith.muli %add3A_732, %mul3A_733 : i32
        %add3A_735 = arith.constant 7 : i32
        %add3A_736 = arith.addi %mul3A_734, %add3A_735 : i32
        %mul3A_737 = arith.constant 128 : i32
        %mul3A_738 = arith.muli %add3A_736, %mul3A_737 : i32
        %add3A_739 = arith.addi %mul3A_2, %mul3A_738 : i32
        %dma_start3A_740 = arith.constant 7 : i32
        %dma_start3A_741 = arith.constant 0 : i32
        %dma_start3A_742 = tpu.memref_slice %arg5[%dma_start3A_740, %dma_start3A_741] : memref<8x128xi32, #tpu.memory_space<vmem>> -> memref<1x128xi32, #tpu.memory_space<vmem>>
        %dma_start3A_743 = tpu.memref_squeeze %dma_start3A_742 : memref<1x128xi32, #tpu.memory_space<vmem>> -> memref<128xi32, #tpu.memory_space<vmem>>
        %dma_start3A_744 = tpu.memref_slice %arg2[%add3A_739] : memref<524288xi32, #tpu.memory_space<hbm>> -> memref<128xi32, #tpu.memory_space<hbm>>
        %dma_start3A_745 = arith.constant 0 : i32
        %dma_start3A_746 = tpu.memref_slice %arg5[%dma_start3A_740, %dma_start3A_745] : memref<8x128xi32, #tpu.memory_space<vmem>> -> memref<1x128xi32, #tpu.memory_space<vmem>>
        %dma_start3A_747 = tpu.memref_squeeze %dma_start3A_746 : memref<1x128xi32, #tpu.memory_space<vmem>> -> memref<128xi32, #tpu.memory_space<vmem>>
        %dma_start3A_748 = tpu.memref_slice %arg2[%add3A_739] : memref<524288xi32, #tpu.memory_space<hbm>> -> memref<128xi32, #tpu.memory_space<hbm>>
        tpu.enqueue_dma source(%dma_start3A_748 : memref<128xi32, #tpu.memory_space<hbm>>) target(%dma_start3A_747 : memref<128xi32, #tpu.memory_space<vmem>>) target_semaphore(%arg14 : memref<!tpu.dma_semaphore, #tpu.memory_space<semaphore_mem>>)
      } else {
      }
    }
    %scan3A_94 = arith.constant 16 : i32
    %dma_wait3A = arith.constant 0 : i32
    %dma_wait3A_95 = arith.constant 0 : i32
    %dma_wait3A_96 = arith.constant 0 : i32
    %dma_wait3A_97 = tpu.memref_slice %arg6[%dma_wait3A, %dma_wait3A_95, %dma_wait3A_96] : memref<8x128x64xf32, #tpu.memory_space<vmem>> -> memref<1x128x64xf32, #tpu.memory_space<vmem>>
    %dma_wait3A_98 = tpu.memref_squeeze %dma_wait3A_97 : memref<1x128x64xf32, #tpu.memory_space<vmem>> -> memref<128x64xf32, #tpu.memory_space<vmem>>
    %dma_wait3A_99 = arith.constant 0 : i32
    %dma_wait3A_100 = arith.constant 0 : i32
    %dma_wait3A_101 = tpu.memref_slice %arg4[%dma_wait3A_99, %dma_wait3A_100] : memref<524288x64xf32, #tpu.memory_space<hbm>> -> memref<128x64xf32, #tpu.memory_space<hbm>>
    %dma_wait3A_102 = arith.constant 0 : i32
    %dma_wait3A_103 = arith.constant 0 : i32
    %dma_wait3A_104 = tpu.memref_slice %arg4[%dma_wait3A_102, %dma_wait3A_103] : memref<524288x64xf32, #tpu.memory_space<hbm>> -> memref<128x64xf32, #tpu.memory_space<hbm>>
    %dma_wait3A_105 = arith.constant 0 : i32
    %dma_wait3A_106 = arith.constant 0 : i32
    %dma_wait3A_107 = tpu.memref_slice %arg6[%dma_wait3A, %dma_wait3A_105, %dma_wait3A_106] : memref<8x128x64xf32, #tpu.memory_space<vmem>> -> memref<1x128x64xf32, #tpu.memory_space<vmem>>
    %dma_wait3A_108 = tpu.memref_squeeze %dma_wait3A_107 : memref<1x128x64xf32, #tpu.memory_space<vmem>> -> memref<128x64xf32, #tpu.memory_space<vmem>>
    tpu.wait_dma2 semaphore(%arg23 : memref<!tpu.dma_semaphore, #tpu.memory_space<semaphore_mem>>) src(%dma_wait3A_108 : memref<128x64xf32, #tpu.memory_space<vmem>>) dst(%dma_wait3A_104 : memref<128x64xf32, #tpu.memory_space<hbm>>)
    %dma_wait3A_109 = arith.constant 1 : i32
    %dma_wait3A_110 = arith.constant 0 : i32
    %dma_wait3A_111 = arith.constant 0 : i32
    %dma_wait3A_112 = tpu.memref_slice %arg6[%dma_wait3A_109, %dma_wait3A_110, %dma_wait3A_111] : memref<8x128x64xf32, #tpu.memory_space<vmem>> -> memref<1x128x64xf32, #tpu.memory_space<vmem>>
    %dma_wait3A_113 = tpu.memref_squeeze %dma_wait3A_112 : memref<1x128x64xf32, #tpu.memory_space<vmem>> -> memref<128x64xf32, #tpu.memory_space<vmem>>
    %dma_wait3A_114 = arith.constant 0 : i32
    %dma_wait3A_115 = arith.constant 0 : i32
    %dma_wait3A_116 = tpu.memref_slice %arg4[%dma_wait3A_114, %dma_wait3A_115] : memref<524288x64xf32, #tpu.memory_space<hbm>> -> memref<128x64xf32, #tpu.memory_space<hbm>>
    %dma_wait3A_117 = arith.constant 0 : i32
    %dma_wait3A_118 = arith.constant 0 : i32
    %dma_wait3A_119 = tpu.memref_slice %arg4[%dma_wait3A_117, %dma_wait3A_118] : memref<524288x64xf32, #tpu.memory_space<hbm>> -> memref<128x64xf32, #tpu.memory_space<hbm>>
    %dma_wait3A_120 = arith.constant 0 : i32
    %dma_wait3A_121 = arith.constant 0 : i32
    %dma_wait3A_122 = tpu.memref_slice %arg6[%dma_wait3A_109, %dma_wait3A_120, %dma_wait3A_121] : memref<8x128x64xf32, #tpu.memory_space<vmem>> -> memref<1x128x64xf32, #tpu.memory_space<vmem>>
    %dma_wait3A_123 = tpu.memref_squeeze %dma_wait3A_122 : memref<1x128x64xf32, #tpu.memory_space<vmem>> -> memref<128x64xf32, #tpu.memory_space<vmem>>
    tpu.wait_dma2 semaphore(%arg24 : memref<!tpu.dma_semaphore, #tpu.memory_space<semaphore_mem>>) src(%dma_wait3A_123 : memref<128x64xf32, #tpu.memory_space<vmem>>) dst(%dma_wait3A_119 : memref<128x64xf32, #tpu.memory_space<hbm>>)
    %dma_wait3A_124 = arith.constant 2 : i32
    %dma_wait3A_125 = arith.constant 0 : i32
    %dma_wait3A_126 = arith.constant 0 : i32
    %dma_wait3A_127 = tpu.memref_slice %arg6[%dma_wait3A_124, %dma_wait3A_125, %dma_wait3A_126] : memref<8x128x64xf32, #tpu.memory_space<vmem>> -> memref<1x128x64xf32, #tpu.memory_space<vmem>>
    %dma_wait3A_128 = tpu.memref_squeeze %dma_wait3A_127 : memref<1x128x64xf32, #tpu.memory_space<vmem>> -> memref<128x64xf32, #tpu.memory_space<vmem>>
    %dma_wait3A_129 = arith.constant 0 : i32
    %dma_wait3A_130 = arith.constant 0 : i32
    %dma_wait3A_131 = tpu.memref_slice %arg4[%dma_wait3A_129, %dma_wait3A_130] : memref<524288x64xf32, #tpu.memory_space<hbm>> -> memref<128x64xf32, #tpu.memory_space<hbm>>
    %dma_wait3A_132 = arith.constant 0 : i32
    %dma_wait3A_133 = arith.constant 0 : i32
    %dma_wait3A_134 = tpu.memref_slice %arg4[%dma_wait3A_132, %dma_wait3A_133] : memref<524288x64xf32, #tpu.memory_space<hbm>> -> memref<128x64xf32, #tpu.memory_space<hbm>>
    %dma_wait3A_135 = arith.constant 0 : i32
    %dma_wait3A_136 = arith.constant 0 : i32
    %dma_wait3A_137 = tpu.memref_slice %arg6[%dma_wait3A_124, %dma_wait3A_135, %dma_wait3A_136] : memref<8x128x64xf32, #tpu.memory_space<vmem>> -> memref<1x128x64xf32, #tpu.memory_space<vmem>>
    %dma_wait3A_138 = tpu.memref_squeeze %dma_wait3A_137 : memref<1x128x64xf32, #tpu.memory_space<vmem>> -> memref<128x64xf32, #tpu.memory_space<vmem>>
    tpu.wait_dma2 semaphore(%arg25 : memref<!tpu.dma_semaphore, #tpu.memory_space<semaphore_mem>>) src(%dma_wait3A_138 : memref<128x64xf32, #tpu.memory_space<vmem>>) dst(%dma_wait3A_134 : memref<128x64xf32, #tpu.memory_space<hbm>>)
    %dma_wait3A_139 = arith.constant 3 : i32
    %dma_wait3A_140 = arith.constant 0 : i32
    %dma_wait3A_141 = arith.constant 0 : i32
    %dma_wait3A_142 = tpu.memref_slice %arg6[%dma_wait3A_139, %dma_wait3A_140, %dma_wait3A_141] : memref<8x128x64xf32, #tpu.memory_space<vmem>> -> memref<1x128x64xf32, #tpu.memory_space<vmem>>
    %dma_wait3A_143 = tpu.memref_squeeze %dma_wait3A_142 : memref<1x128x64xf32, #tpu.memory_space<vmem>> -> memref<128x64xf32, #tpu.memory_space<vmem>>
    %dma_wait3A_144 = arith.constant 0 : i32
    %dma_wait3A_145 = arith.constant 0 : i32
    %dma_wait3A_146 = tpu.memref_slice %arg4[%dma_wait3A_144, %dma_wait3A_145] : memref<524288x64xf32, #tpu.memory_space<hbm>> -> memref<128x64xf32, #tpu.memory_space<hbm>>
    %dma_wait3A_147 = arith.constant 0 : i32
    %dma_wait3A_148 = arith.constant 0 : i32
    %dma_wait3A_149 = tpu.memref_slice %arg4[%dma_wait3A_147, %dma_wait3A_148] : memref<524288x64xf32, #tpu.memory_space<hbm>> -> memref<128x64xf32, #tpu.memory_space<hbm>>
    %dma_wait3A_150 = arith.constant 0 : i32
    %dma_wait3A_151 = arith.constant 0 : i32
    %dma_wait3A_152 = tpu.memref_slice %arg6[%dma_wait3A_139, %dma_wait3A_150, %dma_wait3A_151] : memref<8x128x64xf32, #tpu.memory_space<vmem>> -> memref<1x128x64xf32, #tpu.memory_space<vmem>>
    %dma_wait3A_153 = tpu.memref_squeeze %dma_wait3A_152 : memref<1x128x64xf32, #tpu.memory_space<vmem>> -> memref<128x64xf32, #tpu.memory_space<vmem>>
    tpu.wait_dma2 semaphore(%arg26 : memref<!tpu.dma_semaphore, #tpu.memory_space<semaphore_mem>>) src(%dma_wait3A_153 : memref<128x64xf32, #tpu.memory_space<vmem>>) dst(%dma_wait3A_149 : memref<128x64xf32, #tpu.memory_space<hbm>>)
    %dma_wait3A_154 = arith.constant 4 : i32
    %dma_wait3A_155 = arith.constant 0 : i32
    %dma_wait3A_156 = arith.constant 0 : i32
    %dma_wait3A_157 = tpu.memref_slice %arg6[%dma_wait3A_154, %dma_wait3A_155, %dma_wait3A_156] : memref<8x128x64xf32, #tpu.memory_space<vmem>> -> memref<1x128x64xf32, #tpu.memory_space<vmem>>
    %dma_wait3A_158 = tpu.memref_squeeze %dma_wait3A_157 : memref<1x128x64xf32, #tpu.memory_space<vmem>> -> memref<128x64xf32, #tpu.memory_space<vmem>>
    %dma_wait3A_159 = arith.constant 0 : i32
    %dma_wait3A_160 = arith.constant 0 : i32
    %dma_wait3A_161 = tpu.memref_slice %arg4[%dma_wait3A_159, %dma_wait3A_160] : memref<524288x64xf32, #tpu.memory_space<hbm>> -> memref<128x64xf32, #tpu.memory_space<hbm>>
    %dma_wait3A_162 = arith.constant 0 : i32
    %dma_wait3A_163 = arith.constant 0 : i32
    %dma_wait3A_164 = tpu.memref_slice %arg4[%dma_wait3A_162, %dma_wait3A_163] : memref<524288x64xf32, #tpu.memory_space<hbm>> -> memref<128x64xf32, #tpu.memory_space<hbm>>
    %dma_wait3A_165 = arith.constant 0 : i32
    %dma_wait3A_166 = arith.constant 0 : i32
    %dma_wait3A_167 = tpu.memref_slice %arg6[%dma_wait3A_154, %dma_wait3A_165, %dma_wait3A_166] : memref<8x128x64xf32, #tpu.memory_space<vmem>> -> memref<1x128x64xf32, #tpu.memory_space<vmem>>
    %dma_wait3A_168 = tpu.memref_squeeze %dma_wait3A_167 : memref<1x128x64xf32, #tpu.memory_space<vmem>> -> memref<128x64xf32, #tpu.memory_space<vmem>>
    tpu.wait_dma2 semaphore(%arg27 : memref<!tpu.dma_semaphore, #tpu.memory_space<semaphore_mem>>) src(%dma_wait3A_168 : memref<128x64xf32, #tpu.memory_space<vmem>>) dst(%dma_wait3A_164 : memref<128x64xf32, #tpu.memory_space<hbm>>)
    %dma_wait3A_169 = arith.constant 5 : i32
    %dma_wait3A_170 = arith.constant 0 : i32
    %dma_wait3A_171 = arith.constant 0 : i32
    %dma_wait3A_172 = tpu.memref_slice %arg6[%dma_wait3A_169, %dma_wait3A_170, %dma_wait3A_171] : memref<8x128x64xf32, #tpu.memory_space<vmem>> -> memref<1x128x64xf32, #tpu.memory_space<vmem>>
    %dma_wait3A_173 = tpu.memref_squeeze %dma_wait3A_172 : memref<1x128x64xf32, #tpu.memory_space<vmem>> -> memref<128x64xf32, #tpu.memory_space<vmem>>
    %dma_wait3A_174 = arith.constant 0 : i32
    %dma_wait3A_175 = arith.constant 0 : i32
    %dma_wait3A_176 = tpu.memref_slice %arg4[%dma_wait3A_174, %dma_wait3A_175] : memref<524288x64xf32, #tpu.memory_space<hbm>> -> memref<128x64xf32, #tpu.memory_space<hbm>>
    %dma_wait3A_177 = arith.constant 0 : i32
    %dma_wait3A_178 = arith.constant 0 : i32
    %dma_wait3A_179 = tpu.memref_slice %arg4[%dma_wait3A_177, %dma_wait3A_178] : memref<524288x64xf32, #tpu.memory_space<hbm>> -> memref<128x64xf32, #tpu.memory_space<hbm>>
    %dma_wait3A_180 = arith.constant 0 : i32
    %dma_wait3A_181 = arith.constant 0 : i32
    %dma_wait3A_182 = tpu.memref_slice %arg6[%dma_wait3A_169, %dma_wait3A_180, %dma_wait3A_181] : memref<8x128x64xf32, #tpu.memory_space<vmem>> -> memref<1x128x64xf32, #tpu.memory_space<vmem>>
    %dma_wait3A_183 = tpu.memref_squeeze %dma_wait3A_182 : memref<1x128x64xf32, #tpu.memory_space<vmem>> -> memref<128x64xf32, #tpu.memory_space<vmem>>
    tpu.wait_dma2 semaphore(%arg28 : memref<!tpu.dma_semaphore, #tpu.memory_space<semaphore_mem>>) src(%dma_wait3A_183 : memref<128x64xf32, #tpu.memory_space<vmem>>) dst(%dma_wait3A_179 : memref<128x64xf32, #tpu.memory_space<hbm>>)
    %dma_wait3A_184 = arith.constant 6 : i32
    %dma_wait3A_185 = arith.constant 0 : i32
    %dma_wait3A_186 = arith.constant 0 : i32
    %dma_wait3A_187 = tpu.memref_slice %arg6[%dma_wait3A_184, %dma_wait3A_185, %dma_wait3A_186] : memref<8x128x64xf32, #tpu.memory_space<vmem>> -> memref<1x128x64xf32, #tpu.memory_space<vmem>>
    %dma_wait3A_188 = tpu.memref_squeeze %dma_wait3A_187 : memref<1x128x64xf32, #tpu.memory_space<vmem>> -> memref<128x64xf32, #tpu.memory_space<vmem>>
    %dma_wait3A_189 = arith.constant 0 : i32
    %dma_wait3A_190 = arith.constant 0 : i32
    %dma_wait3A_191 = tpu.memref_slice %arg4[%dma_wait3A_189, %dma_wait3A_190] : memref<524288x64xf32, #tpu.memory_space<hbm>> -> memref<128x64xf32, #tpu.memory_space<hbm>>
    %dma_wait3A_192 = arith.constant 0 : i32
    %dma_wait3A_193 = arith.constant 0 : i32
    %dma_wait3A_194 = tpu.memref_slice %arg4[%dma_wait3A_192, %dma_wait3A_193] : memref<524288x64xf32, #tpu.memory_space<hbm>> -> memref<128x64xf32, #tpu.memory_space<hbm>>
    %dma_wait3A_195 = arith.constant 0 : i32
    %dma_wait3A_196 = arith.constant 0 : i32
    %dma_wait3A_197 = tpu.memref_slice %arg6[%dma_wait3A_184, %dma_wait3A_195, %dma_wait3A_196] : memref<8x128x64xf32, #tpu.memory_space<vmem>> -> memref<1x128x64xf32, #tpu.memory_space<vmem>>
    %dma_wait3A_198 = tpu.memref_squeeze %dma_wait3A_197 : memref<1x128x64xf32, #tpu.memory_space<vmem>> -> memref<128x64xf32, #tpu.memory_space<vmem>>
    tpu.wait_dma2 semaphore(%arg29 : memref<!tpu.dma_semaphore, #tpu.memory_space<semaphore_mem>>) src(%dma_wait3A_198 : memref<128x64xf32, #tpu.memory_space<vmem>>) dst(%dma_wait3A_194 : memref<128x64xf32, #tpu.memory_space<hbm>>)
    %dma_wait3A_199 = arith.constant 7 : i32
    %dma_wait3A_200 = arith.constant 0 : i32
    %dma_wait3A_201 = arith.constant 0 : i32
    %dma_wait3A_202 = tpu.memref_slice %arg6[%dma_wait3A_199, %dma_wait3A_200, %dma_wait3A_201] : memref<8x128x64xf32, #tpu.memory_space<vmem>> -> memref<1x128x64xf32, #tpu.memory_space<vmem>>
    %dma_wait3A_203 = tpu.memref_squeeze %dma_wait3A_202 : memref<1x128x64xf32, #tpu.memory_space<vmem>> -> memref<128x64xf32, #tpu.memory_space<vmem>>
    %dma_wait3A_204 = arith.constant 0 : i32
    %dma_wait3A_205 = arith.constant 0 : i32
    %dma_wait3A_206 = tpu.memref_slice %arg4[%dma_wait3A_204, %dma_wait3A_205] : memref<524288x64xf32, #tpu.memory_space<hbm>> -> memref<128x64xf32, #tpu.memory_space<hbm>>
    %dma_wait3A_207 = arith.constant 0 : i32
    %dma_wait3A_208 = arith.constant 0 : i32
    %dma_wait3A_209 = tpu.memref_slice %arg4[%dma_wait3A_207, %dma_wait3A_208] : memref<524288x64xf32, #tpu.memory_space<hbm>> -> memref<128x64xf32, #tpu.memory_space<hbm>>
    %dma_wait3A_210 = arith.constant 0 : i32
    %dma_wait3A_211 = arith.constant 0 : i32
    %dma_wait3A_212 = tpu.memref_slice %arg6[%dma_wait3A_199, %dma_wait3A_210, %dma_wait3A_211] : memref<8x128x64xf32, #tpu.memory_space<vmem>> -> memref<1x128x64xf32, #tpu.memory_space<vmem>>
    %dma_wait3A_213 = tpu.memref_squeeze %dma_wait3A_212 : memref<1x128x64xf32, #tpu.memory_space<vmem>> -> memref<128x64xf32, #tpu.memory_space<vmem>>
    tpu.wait_dma2 semaphore(%arg30 : memref<!tpu.dma_semaphore, #tpu.memory_space<semaphore_mem>>) src(%dma_wait3A_213 : memref<128x64xf32, #tpu.memory_space<vmem>>) dst(%dma_wait3A_209 : memref<128x64xf32, #tpu.memory_space<hbm>>)
    return
  }
}

</mosaic_0001>

<sc_bundles>
// kernel: kernel.3.cloned.1.call-start
scs
__scs_entry_jumppad:
0x0: {  	(pc) =	sbr.rel $0x88, $3  }
0x1: {  	(tag) =	ssettag $0x0;
	lr =	simm.s32 $0x1  }
0x2: {  	[smem:$0x3F9E] =	sst lr;
	_ =	strace $0xD0000000  }
0x3: {  	_ = 	snop  }
0x4: {  	_ = 	snop  }
0x5: {  	_ = 	snop  }
0x6: {  	_ = 	snop  }
0x7: {  	_ = 	snop  }
__scs_overlays_trampoline_lowered:
0x8: {  	[smem:$0x3FAD] =	sst s0  }
0x9: {  	[smem:$0x3FAE] =	sst s1  }
0xa: {  	[smem:$0x3FAF] =	sst s2  }
0xb: {  	[smem:$0x3FB0] =	sst s3  }
0xc: {  	[smem:$0x3FB1] =	sst s4  }
0xd: {  	[smem:$0x3FB2] =	sst s5  }
0xe: {  	[smem:$0x3FB3] =	sst s6  }
0xf: {  	[smem:$0x3FB4] =	sst s7  }
0x10: {  	[smem:$0x3FB5] =	sst s8  }
0x11: {  	[smem:$0x3FB6] =	sst s9;
	s0 =	simm.s32 @!p0 $0x0  }
0x12: {  	s1 =	sld [smem:$0x3F9C];
	s0 =	simm.s32 @p0 $0x1  }
0x13: {  	[smem:$0x3FB7] =	sst s0;
	s0 =	simm.s32 @!p1 $0x0  }
0x14: {  	s2 =	sld [smem:$0x3F9B];
	s0 =	simm.s32 @p1 $0x1  }
0x15: {  	[smem:$0x3FB8] =	sst s0;
	s0 =	simm.s32 @!p2 $0x0  }
0x16: {  	s3 =	sld [smem:$0x3FDB];
	s0 =	simm.s32 @p2 $0x1  }
0x17: {  	s4 =	simm.s32 $0x1BF5;
	[smem:$0x3FBA] =	sst s0  }
0x18: {  	s0 =	sld [smem:$0x3F9D];
	_ =	swait.ge [sflag:s4], $0x0  }
0x19: {  	s7 =	sld [smem:$0x3F9E]  }
0x1a: {  	s8 =	sadd.s32 $0xFFFFE003, lr  }
0x1b: {  	s9 =	sadd.s32 $0xFFFFFEF7, lr;
	s5 =	simm.s32 $0xFFFFFFFF;
	p2 =	slt.u32 s8, $0xFFFFF086  }
0x1c: {  	p1 =	slt.u32 s9, $0xF7A;
	s5 =	simm.s32 @!p2 $0x0  }
0x1d: {  	s5 =	simm.s32 @p1 $0x1;
	p0 =	seq.s32 s7, s2  }
0x1e: {  	s7 =	smul.u32 @!p0 $0xF7A, s2;
	p2 =	seq.s32 @!p0 s5, $0x0  }
0x1f: {  	s9 =	smul.u32 $0xF7A, s1;
	s8 =	simm.s32 @!p0 $0x1BF5;
	p2 =	por !p2, p0  }
0x20: {  	[sflag:s8] =	ssyncset.s32 @!p0 $0xFFFFF086;
	s6 =	sadd.s32 @!p0 s3, s7;
	s7 =	simm.s32 @!p0 $0x108  }
0x21: {  	s3 =	sadd.s32 s3, s9;
	s6 =	sadd.s32 @!p0 $0x88, s6;
	s7 =	simm.s32 @p2 $0x1082  }
0x22: {  	[simem:s7], [sflag:s8] =	dma.local @!p0 [hbm:s6], $0xF7A  }
0x23: {  	s9 =	sor.u32 $0xD0000000, s2;
	s6 =	simm.s32 $0x108;
	_ =	swait.ge @!p0 [sflag:s8], $0x0  }
0x24: {  	s3 =	sadd.s32 $0x88, s3;
	s6 =	simm.s32 @!p1 $0x1082;
	[sflag:s4] =	ssyncset.s32 $0xFFFFF086  }
0x25: {  	[simem:s6], [sflag:s4] =	dma.local [hbm:s3], $0xF7A  }
0x26: {  	[smem:$0x3F9E] =	sst s1;
	(tag) =	ssettag s2;
	_ =	strace s9  }
0x27: {  	s1 =	sld [smem:$0x3FAE]  }
0x28: {  	s2 =	sld [smem:$0x3FAF]  }
0x29: {  	s4 =	sld [smem:$0x3FB1]  }
0x2a: {  	p0 =	seq.s32 s5, $0x0;
	s5 =	sld [smem:$0x3FB2]  }
0x2b: {  	s6 =	sld [smem:$0x3FB3]  }
0x2c: {  	s7 =	sld [smem:$0x3FB4]  }
0x2d: {  	s3 =	simm.s32 $0x108;
	s8 =	sld [smem:$0x3FB5]  }
0x2e: {  	s3 =	simm.s32 @!p0 $0x1082;
	s9 =	sld [smem:$0x3FB6]  }
0x2f: {  	lr =	sadd.s32 s0, s3;
	s0 =	sld [smem:$0x3FAD]  }
0x30: {  	s3 =	sld [smem:$0x3FB0]  }
0x31: {  	[smem:$0x3FB9] =	sst s10  }
0x32: {  	s10 =	sld [smem:$0x3FB7];
	_ =	sdelay $0x3  }
0x33: {  	p0 =	seq.s32 s10, $0x1;
	s10 =	sld [smem:$0x3FB9];
	_ =	sdelay $0x3  }
0x34: {  	[smem:$0x3FB9] =	sst s10  }
0x35: {  	s10 =	sld [smem:$0x3FB8];
	_ =	sdelay $0x3  }
0x36: {  	p1 =	seq.s32 s10, $0x1;
	s10 =	sld [smem:$0x3FB9];
	_ =	sdelay $0x3  }
0x37: {  	[smem:$0x3FB9] =	sst s10  }
0x38: {  	s10 =	sld [smem:$0x3FBA]  }
0x39: {  	_ = 	snop;
	(pc) =	sbr.ind lr, $3  }
0x3a: {  	_ = 	snop  }
0x3b: {  	_ = 	snop  }
0x3c: {  	p2 =	seq.s32 s10, $0x1;
	s10 =	sld [smem:$0x3FB9]  }
0x3d: {  	_ =	shalt  }
0x3e: {  	_ =	shalt  }
0x3f: {  	_ =	shalt  }
0x40: {  	_ =	shalt  }
0x41: {  	_ =	shalt  }
0x42: {  	_ =	shalt  }
0x43: {  	_ =	shalt  }
0x44: {  	_ =	shalt  }
0x45: {  	_ =	shalt  }
0x46: {  	_ =	shalt  }
0x47: {  	_ =	shalt  }
0x48: {  	_ =	shalt  }
0x49: {  	_ =	shalt  }
0x4a: {  	_ =	shalt  }
0x4b: {  	_ =	shalt  }
0x4c: {  	_ =	shalt  }
0x4d: {  	_ =	shalt  }
0x4e: {  	_ =	shalt  }
0x4f: {  	_ =	shalt  }
0x50: {  	_ =	shalt  }
0x51: {  	_ =	shalt  }
0x52: {  	_ =	shalt  }
0x53: {  	_ =	shalt  }
0x54: {  	_ =	shalt  }
0x55: {  	_ =	shalt  }
0x56: {  	_ =	shalt  }
0x57: {  	_ =	shalt  }
0x58: {  	_ =	shalt  }
0x59: {  	_ =	shalt  }
0x5a: {  	_ =	shalt  }
0x5b: {  	_ =	shalt  }
0x5c: {  	_ =	shalt  }
0x5d: {  	_ =	shalt  }
0x5e: {  	_ =	shalt  }
0x5f: {  	_ =	shalt  }
0x60: {  	_ =	shalt  }
0x61: {  	_ =	shalt  }
0x62: {  	_ =	shalt  }
0x63: {  	_ =	shalt  }
0x64: {  	_ =	shalt  }
0x65: {  	_ =	shalt  }
0x66: {  	_ =	shalt  }
0x67: {  	_ =	shalt  }
0x68: {  	_ =	shalt  }
0x69: {  	_ =	shalt  }
0x6a: {  	_ =	shalt  }
0x6b: {  	_ =	shalt  }
0x6c: {  	_ =	shalt  }
0x6d: {  	_ =	shalt  }
0x6e: {  	_ =	shalt  }
0x6f: {  	_ =	shalt  }
0x70: {  	_ =	shalt  }
0x71: {  	_ =	shalt  }
0x72: {  	_ =	shalt  }
0x73: {  	_ =	shalt  }
0x74: {  	_ =	shalt  }
0x75: {  	_ =	shalt  }
0x76: {  	_ =	shalt  }
0x77: {  	_ =	shalt  }
0x78: {  	_ =	shalt  }
0x79: {  	_ =	shalt  }
0x7a: {  	_ =	shalt  }
0x7b: {  	_ =	shalt  }
0x7c: {  	_ =	shalt  }
0x7d: {  	_ =	shalt  }
0x7e: {  	_ =	shalt  }
0x7f: {  	_ =	shalt  }
0x80: {  	_ =	shalt  }
0x81: {  	_ =	shalt  }
0x82: {  	_ =	shalt  }
0x83: {  	_ =	shalt  }
0x84: {  	_ =	shalt  }
0x85: {  	_ =	shalt  }
0x86: {  	_ =	shalt  }
0x87: {  	_ =	shalt  }
.Lfunc_end0:
.L_simem_size_0:
called_computation.1_lowered:
.L_overlay_start_0:
0x88: {  	s2 =	sld [smem:$0x3FD9]  }
0x89: {  	s3 =	sld [smem:$0x3FFE];
	_ =	sdelay $0x1  }
0x8a: {  	s1 =	srdreg.scid  }
0x8b: {  	s0 =	sand.u32 $0x1, s1  }
0x8c: {  	s14 =	sshll.u32 s0, $0xA;
	s2 =	sadd.s32 s3, s2  }
0x8d: {  	s2 =	sadd.s32 s2, s14  }
0x8e: {  	[smem:$0x3FC5] =	sst s2  }
0x8f: {  	_ = 	snop  }
0x90: {  	s2 =	sld [smem:$0x3FD0];
	_ =	sdelay $0x2  }
0x91: {  	s4 =	simm.s32 $0xA;
	s5 =	simm.s32 $0x10;
	s15 =	sld [smem:$0x3FC9]  }
0x92: {  	[smem:s5], [sflag:s4] =	dma.local [hbm:s2], $0x1  }
0x93: {  	_ =	swait.eq [sflag:s4], $0x1  }
0x94: {  	[sflag:s4] =	ssyncset.done $0x0  }
0x95: {  	[sflag:s4] =	ssyncadd.s32 $0xFFFFFFFF  }
0x96: {  	s16 =	sld [smem:$0x10];
	(tm) =	ssettm $0x1  }
0x97: {  	s17 =	sld [smem:$0x3FFB];
	_ =	sdelay $0x3  }
0x98: {  	_ =	strace s17  }
0x99: {  	s4 =	sld [smem:$0x3FFC];
	_ =	sdelay $0x3  }
0x9a: {  	_ =	strace s4  }
0x9b: {  	s4 =	sld [smem:$0x3FFD];
	_ =	sdelay $0x3  }
0x9c: {  	_ =	strace s4  }
0x9d: {  	_ =	strace $0x8FFFFFFF  }
0x9e: {  	s18 =	sld [smem:$0x3FDB];
	_ =	sdelay $0x1  }
0x9f: {  	s19 =	simm.s32 $_scs_section_size  }
0xa0: {  	s6 =	simm.s32 $_size__tile_overlayer_lowered;
	s7 =	simm.s32 $_tile_overlayer_lowered  }
0xa1: {  	s22 =	simm.s32 $0x1BFF;
	s21 =	sshll.u32 s7, $0x1;
	s4 =	sadd.s32 s19, s18  }
0xa2: {  	s8 =	simm.s32 $0x0;
	s20 =	sshll.u32 s6, $0x1;
	s6 =	sadd.s32 s21, s4  }
0xa3: {  	[timem:s8], [sflag:s22] =	dma.local [hbm:s6], s20  }
0xa4: {  	_ =	swait.ge [sflag:s22], s20  }
0xa5: {  	s5 =	ssub.s32 $0x0, s20;
	[sflag:s22] =	ssyncset.done $0x0  }
0xa6: {  	[sflag:s22] =	ssyncadd.s32 s5;
	_ =	sdelay $0x1  }
0xa7: {  	s23 =	simm.s32 $0x1B8B  }
0xa8: {  	_ =	swait.ge [sflag:s23], $0x1  }
0xa9: {  	[sflag:s23] =	ssyncset.done $0x0  }
0xaa: {  	s25 =	simm.s32 $0x1B8E;
	s24 =	sld [smem:$0x3FFE];
	[sflag:s23] =	ssyncadd.s32 $0xFFFFFFFF  }
0xab: {  	s26 =	simm.s32 $execute0_lowered;
	[smem:$0x3FD2] =	sst s25  }
0xac: {  	s6 =	sshll.u32 s26, $0x1;
	_ =	strace $0x80000046;
	[dreg:$0x1] =	wrdreg $0xFFFFFFFF  }
0xad: {  	s28 =	simm.s32 $_size_execute0_lowered;
	s4 =	sadd.s32 s4, s6;
	[dreg:$0x0] =	wrdreg $0x0  }
0xae: {  	s6 =	sshll.u32 s28, $0x1;
	[dreg:$0x2] =	wrdreg s4  }
0xaf: {  	[dreg:$0x3] =	wrdreg s6  }
0xb0: {  	[dreg:$0x4] =	wrdreg $0xC0  }
0xb1: {  	_ =	task [dreg:s8], $0x5FFFF  }
0xb2: {  	[dreg:$0x1] =	wrdreg $0xFFFFFFFF  }
0xb3: {  	[dreg:$0x0] =	wrdreg $0x60  }
0xb4: {  	[dreg:$0x2] =	wrdreg s15  }
0xb5: {  	[dreg:$0x3] =	wrdreg s24  }
0xb6: {  	[dreg:$0x4] =	wrdreg s16  }
0xb7: {  	[dreg:$0x5] =	wrdreg $0x9  }
0xb8: {  	_ =	task.clear_ibuf [dreg:s8], $0x6FFFF;
	_ =	strace $0x90000046  }
0xb9: {  	s29 =	simm.s32 $0x9;
	_ =	strace $0x80000048  }
0xba: {  	_ =	swait.ge [sflag:s29], $0x1  }
0xbb: {  	[sflag:s29] =	ssyncadd.s32 $0xFFFFFFFF  }
0xbc: {  	_ =	strace $0x90000048  }
0xbd: {  	_ =	sfence  }
0xbe: {  	s30 =	sld [smem:$0x0];
	_ =	sdelay $0x2  }
0xbf: {  	s31 =	sshll.u32 s1, $0xD;
	s1 =	sshrl.u32 s1, $0x2  }
0xc0: {  	s3 =	sand.u32 $0x4000, s31;
	s1 =	sadd.s32 s1, s30  }
0xc1: {  	s0 =	sor.u32 s3, s0;
	s1 =	sshll.u32 s1, $0x11  }
0xc2: {  	s0 =	sor.u32 s1, s0  }
0xc3: {  	s0 =	sadd.s32 $0x8F2B, s0  }
0xc4: {  	[sflag:s0] =	ssyncadd.remote.s32 $0x1  }
0xc5: {  	_ =	sfence.sel $0xFFFF  }
0xc6: {  	[dreg:$0x0] =	wrdreg $0xFFFFFFFF;
	(pc) =	sbr.abs _section_cstart, $3  }
0xc7: {  	[dreg:$0x1] =	wrdreg $0xFFFFFFFF  }
0xc8: {  	_ =	task.clear_ibuf [dreg:s8], $0x2FFFF;
	_ =	strace $0x9FFFFFFF  }
0xc9: {  	(tm) =	ssettm $0x7FFFFFFF  }
tec
execute0_lowered:
.L_overlay_start_1:
0x0: {  	(tag) =	ssettag $0x1  }
0x1: {  	s1 =	rddreg [dreg:$0x0]  }
0x2: {  	s0 =	srdreg.scid;
	s2 =	rddreg [dreg:$0x1]  }
0x3: {  	s8 =	stileid.u32;
	s9 =	rddreg [dreg:$0x2];
	s4 =	simm.s32 $0x0  }
0x4: {  	s29 =	simm.s32 $0x3;
	s31 =	simm.s32 $0x6400;
	s28 =	simm.s32 $0xE  }
0x5: {  	s30 =	simm.s32 $0xF;
	s0 =	sand.u32 $0x1, s0;
	s3 =	sshll.u32 s8, $0xF  }
0x6: {  	[smem:$0x7FF] =	sst s4;
	s7 =	sadd.s32 $0xA00, s2;
	s5 =	sshll.u32 s0, $0xE  }
0x7: {  	s25 =	sshll.u32 s8, $0x12;
	s8 =	simm.s32 $0x5;
	s10 =	sor.u32 s5, s3  }
0x8: {  	s26 =	ssub.s32 $0x2, s0;
	_ =	strace $0x80000047;
	s18 =	sor.u32 $0x480, s10  }
0x9: {  	s0 =	sshll.u32 s0, $0x11;
	s19 =	sor.u32 $0x500, s10;
	[dreg:$0xc] =	wrdreg s18  }
0xa: {  	s6 =	sshrl.u32 s26, $0x1;
	s20 =	sor.u32 $0x580, s10;
	[dreg:$0xd] =	wrdreg s19  }
0xb: {  	s5 =	sshrl.u32 s10, $0x3;
	s21 =	sor.u32 $0x600, s10;
	[dreg:$0xe] =	wrdreg s20  }
0xc: {  	s6 =	ssub.s32 s26, s6;
	s22 =	sor.u32 $0x680, s10;
	[dreg:$0xf] =	wrdreg s21  }
0xd: {  	s23 =	sor.u32 $0x780, s10;
	s24 =	sor.u32 $0x400, s10;
	[dreg:$0x10] =	wrdreg s22  }
0xe: {  	s5 =	sadd.s32 s1, s5;
	s20 =	sor.u32 $0x700, s10;
	[dreg:$0x11] =	wrdreg s23  }
0xf: {  	s19 =	smov.u32 s10;
	s3 =	sshrl.u32 s24, $0x3;
	s2 =	smax.u32 s6, $0x1  }
0x10: {  	s10 =	simm.s32 $0x7;
	s22 =	simm.s32 $0xB;
	[dreg:$0x4] =	wrdreg s5  }
0x11: {  	s24 =	simm.s32 $0xC;
	s11 =	sadd.s32 $0x10, s5;
	[dreg:$0x12] =	wrdreg s2  }
0x12: {  	s6 =	simm.s32 $0xD;
	s12 =	sadd.s32 $0x20, s5;
	[dreg:$0x5] =	wrdreg s11  }
0x13: {  	s23 =	simm.s32 $0x10;
	s13 =	sadd.s32 $0x30, s5;
	[dreg:$0x6] =	wrdreg s12  }
0x14: {  	s14 =	sadd.s32 $0x40, s5;
	s15 =	sadd.s32 $0x50, s5;
	[dreg:$0x7] =	wrdreg s13  }
0x15: {  	s16 =	sadd.s32 $0x60, s5;
	s17 =	sadd.s32 $0x70, s5;
	[dreg:$0x8] =	wrdreg s14  }
0x16: {  	s5 =	sadd.s32 s25, s9;
	s26 =	sadd.s32 s3, s1;
	[dreg:$0x9] =	wrdreg s15  }
.Ltmp0:
0x17: {  	s25 =	simm.s32 $0x80;
	[dreg:$0xa] =	wrdreg s16;
	(pc) =	sbr.rel .LBB2_1-.Ltmp0, $4  }
0x18: {  	s2 =	simm.s32 $0x380;
	s9 =	simm.s32 $0xA400;
	[dreg:$0xb] =	wrdreg s17  }
0x19: {  	[dreg:$0x13] =	wrdreg s26;
	s0 =	sadd.s32 s0, s5;
	s26 =	simm.s32 $0x2400  }
0x1a: {  	s11 =	simm.s32 $0xE400;
	s12 =	simm.s32 $0x9;
	s14 =	simm.s32 $0xA  }
0x1b: {  	s13 =	simm.s32 $0x0;
	[dreg:$0x14] =	wrdreg s0;
	s0 =	simm.s32 $0x1  }
.LBB2_4:
0x1c: {  	s3 =	simm.s32 $0x11  }
0x1d: {  	_ =	swait.ge [sflag:s3], $0x2000  }
0x1e: {  	[sflag:s3] =	ssyncset.done $0x0  }
0x1f: {  	s5 =	simm.s32 $0x12;
	[sflag:s3] =	ssyncadd.s32 $0xFFFFE000  }
0x20: {  	_ =	swait.ge [sflag:s5], $0x2000  }
0x21: {  	[sflag:s5] =	ssyncset.done $0x0  }
0x22: {  	s13 =	simm.s32 $0x13;
	[sflag:s5] =	ssyncadd.s32 $0xFFFFE000  }
0x23: {  	_ =	swait.ge [sflag:s13], $0x2000  }
0x24: {  	[sflag:s13] =	ssyncset.done $0x0  }
0x25: {  	s15 =	simm.s32 $0x14;
	[sflag:s13] =	ssyncadd.s32 $0xFFFFE000  }
0x26: {  	_ =	swait.ge [sflag:s15], $0x2000  }
0x27: {  	[sflag:s15] =	ssyncset.done $0x0  }
0x28: {  	s16 =	simm.s32 $0x15;
	[sflag:s15] =	ssyncadd.s32 $0xFFFFE000  }
0x29: {  	_ =	swait.ge [sflag:s16], $0x2000  }
0x2a: {  	[sflag:s16] =	ssyncset.done $0x0  }
0x2b: {  	s17 =	simm.s32 $0x16;
	[sflag:s16] =	ssyncadd.s32 $0xFFFFE000  }
0x2c: {  	_ =	swait.ge [sflag:s17], $0x2000  }
0x2d: {  	[sflag:s17] =	ssyncset.done $0x0  }
0x2e: {  	s18 =	simm.s32 $0x17;
	[sflag:s17] =	ssyncadd.s32 $0xFFFFE000  }
0x2f: {  	_ =	swait.ge [sflag:s18], $0x2000  }
0x30: {  	[sflag:s18] =	ssyncset.done $0x0  }
0x31: {  	s5 =	simm.s32 $0x18;
	[sflag:s18] =	ssyncadd.s32 $0xFFFFE000  }
0x32: {  	_ =	swait.ge [sflag:s5], $0x2000  }
0x33: {  	s13 =	rddreg [dreg:$0x15]  }
0x34: {  	s21 =	rddreg [dreg:$0x12];
	s13 =	sadd.s32 $0x1, s13  }
0x35: {  	p0 =	sne.s32 s13, s21  }
.Ltmp1:
0x36: {  	_ = 	snop;
	(pc) =	sbr.rel @!p0 .LBB2_5-.Ltmp1, $3  }
0x37: {  	_ =	sdelay $0x1  }
0x38: {  	[sflag:s5] =	ssyncset.done $0x0  }
0x39: {  	[sflag:s5] =	ssyncadd.s32 $0xFFFFE000  }
.LBB2_1:
0x3a: {  	[dreg:$0x15] =	wrdreg s13  }
0x3b: {  	s3 =	rddreg [dreg:$0x4]  }
0x3c: {  	s16 =	rddreg [dreg:$0x5]  }
0x3d: {  	s17 =	rddreg [dreg:$0x6]  }
0x3e: {  	[tilespmem:s4], [sflag:$0x1] =	stream.linear.gather [hbm4b:s3+s4], $0x80, $0x38;
	[tilespmem:$0x10400] =	vst v63  }
0x3f: {  	s18 =	rddreg [dreg:$0x7]  }
0x40: {  	[tilespmem:s25], [sflag:$0x2] =	stream.linear.gather [hbm4b:s16+s4], $0x80, $0x38;
	[tilespmem:$0x10400] =	vst v63  }
0x41: {  	s5 =	simm.s32 $0x100;
	s15 =	rddreg [dreg:$0x9]  }
0x42: {  	[tilespmem:s5], [sflag:$0x3] =	stream.linear.gather [hbm4b:s17+s4], $0x80, $0x38;
	[tilespmem:$0x10400] =	vst v63  }
0x43: {  	s21 =	simm.s32 $0x180;
	s3 =	rddreg [dreg:$0x14]  }
0x44: {  	[tilespmem:s21], [sflag:$0x4] =	stream.linear.gather [hbm4b:s18+s4], $0x80, $0x38;
	[tilespmem:$0x10400] =	vst v63  }
0x45: {  	s13 =	simm.s32 $0x200;
	s5 =	rddreg [dreg:$0x8]  }
0x46: {  	[tilespmem:s13], [sflag:$0x5] =	stream.linear.gather [hbm4b:s5+s4], $0x80, $0x38;
	[tilespmem:$0x10400] =	vst v63  }
0x47: {  	s16 =	simm.s32 $0x280;
	s17 =	rddreg [dreg:$0xa]  }
0x48: {  	[tilespmem:s16], [sflag:$0x6] =	stream.linear.gather [hbm4b:s15+s4], $0x80, $0x38;
	[tilespmem:$0x10400] =	vst v63  }
0x49: {  	s18 =	simm.s32 $0x300;
	s21 =	rddreg [dreg:$0xb]  }
0x4a: {  	[tilespmem:s18], [sflag:$0x7] =	stream.linear.gather [hbm4b:s17+s4], $0x80, $0x38;
	[tilespmem:$0x10400] =	vst v63  }
0x4b: {  	s13 =	rddreg [dreg:$0x13];
	s5 =	simm.s32 $0x0  }
0x4c: {  	[tilespmem:s2], [sflag:$0x8] =	stream.linear.gather [hbm4b:s21+s4], $0x80, $0x38;
	[tilespmem:$0x10400] =	vst v63  }
.LBB2_2:
0x4d: {  	_ =	swait.ge [sflag:s0], $0x80;
	p0 =	seq.s32 s5, $0x0  }
0x4e: {  	[sflag:s0] =	ssyncset.done $0x0;
	s21 =	simm.s32 @p0 $0x80  }
0x4f: {  	s15 =	simm.s32 @p0 $0x0;
	s16 =	simm.s32 @p0 $0x400;
	[sflag:s0] =	ssyncadd.s32 $0xFFFFFF80  }
0x50: {  	[tilespmem:s16], [sflag:$0x9] =	stream.indirect.gather @p0 [hbm4b:s7+s21], $0x40, s15, s21, $0xb8;
	[tilespmem:$0x10400] =	vst v63  }
0x51: {  	s15 =	simm.s32 @p0 $0x2  }
0x52: {  	_ =	swait.ge @p0 [sflag:s15], $0x80  }
0x53: {  	[sflag:s15] =	ssyncset.done @p0 $0x0  }
0x54: {  	[sflag:s15] =	ssyncadd.s32 @p0 $0xFFFFFF80;
	s15 =	simm.s32 @!p0 $0x11  }
0x55: {  	_ =	swait.ge @!p0 [sflag:s15], $0x2000  }
0x56: {  	s17 =	simm.s32 @!p0 $0x400;
	[sflag:s15] =	ssyncset.done @!p0 $0x0  }
0x57: {  	s16 =	simm.s32 @!p0 $0x0;
	[sflag:s15] =	ssyncadd.s32 @!p0 $0xFFFFE000;
	s15 =	simm.s32 @!p0 $0x80  }
0x58: {  	[tilespmem:s17], [sflag:$0x9] =	stream.indirect.gather @!p0 [hbm4b:s7+s15], $0x40, s16, s15, $0xb8;
	[tilespmem:$0x10400] =	vst v63  }
0x59: {  	s16 =	simm.s32 @!p0 $0x2  }
0x5a: {  	_ =	swait.ge @!p0 [sflag:s16], $0x80  }
0x5b: {  	[sflag:s16] =	ssyncset.done @!p0 $0x0  }
0x5c: {  	[sflag:s16] =	ssyncadd.s32 @!p0 $0xFFFFFF80;
	s16 =	simm.s32 @!p0 $0x12  }
0x5d: {  	_ =	swait.ge @!p0 [sflag:s16], $0x2000  }
0x5e: {  	[sflag:s16] =	ssyncset.done @!p0 $0x0  }
0x5f: {  	[sflag:s16] =	ssyncadd.s32 @!p0 $0xFFFFE000  }
0x60: {  	[tilespmem:s26], [sflag:$0xA] =	stream.indirect.gather [hbm4b:s7+s25], $0x40, s25, s25, $0xb8;
	[tilespmem:$0x10400] =	vst v63  }
0x61: {  	_ =	swait.ge [sflag:s29], $0x80  }
0x62: {  	[sflag:s29] =	ssyncset.done $0x0  }
0x63: {  	s17 =	simm.s32 @p0 $0x4400;
	s16 =	simm.s32 @p0 $0x100;
	[sflag:s29] =	ssyncadd.s32 $0xFFFFFF80  }
0x64: {  	[tilespmem:s17], [sflag:$0xB] =	stream.indirect.gather @p0 [hbm4b:s7+s21], $0x40, s16, s21, $0xb8;
	[tilespmem:$0x10400] =	vst v63  }
0x65: {  	s16 =	simm.s32 @p0 $0x4  }
0x66: {  	_ =	swait.ge @p0 [sflag:s16], $0x80  }
0x67: {  	[sflag:s16] =	ssyncset.done @p0 $0x0  }
0x68: {  	[sflag:s16] =	ssyncadd.s32 @p0 $0xFFFFFF80;
	s16 =	simm.s32 @!p0 $0x13  }
0x69: {  	_ =	swait.ge @!p0 [sflag:s16], $0x2000  }
0x6a: {  	[sflag:s16] =	ssyncset.done @!p0 $0x0  }
0x6b: {  	s17 =	simm.s32 @!p0 $0x4400;
	[sflag:s16] =	ssyncadd.s32 @!p0 $0xFFFFE000;
	s16 =	simm.s32 @!p0 $0x100  }
0x6c: {  	[tilespmem:s17], [sflag:$0xB] =	stream.indirect.gather @!p0 [hbm4b:s7+s15], $0x40, s16, s15, $0xb8;
	[tilespmem:$0x10400] =	vst v63  }
0x6d: {  	s16 =	simm.s32 @!p0 $0x4  }
0x6e: {  	_ =	swait.ge @!p0 [sflag:s16], $0x80  }
0x6f: {  	[sflag:s16] =	ssyncset.done @!p0 $0x0  }
0x70: {  	[sflag:s16] =	ssyncadd.s32 @!p0 $0xFFFFFF80;
	s16 =	simm.s32 @!p0 $0x14  }
0x71: {  	_ =	swait.ge @!p0 [sflag:s16], $0x2000  }
0x72: {  	[sflag:s16] =	ssyncset.done @!p0 $0x0  }
0x73: {  	s17 =	simm.s32 $0x180;
	[sflag:s16] =	ssyncadd.s32 @!p0 $0xFFFFE000  }
0x74: {  	[tilespmem:s31], [sflag:$0xC] =	stream.indirect.gather [hbm4b:s7+s25], $0x40, s17, s25, $0xb8;
	[tilespmem:$0x10400] =	vst v63  }
0x75: {  	_ =	swait.ge [sflag:s8], $0x80  }
0x76: {  	[sflag:s8] =	ssyncset.done $0x0  }
0x77: {  	s16 =	simm.s32 @p0 $0x200;
	s17 =	simm.s32 @p0 $0x8400;
	[sflag:s8] =	ssyncadd.s32 $0xFFFFFF80  }
0x78: {  	[tilespmem:s17], [sflag:$0xD] =	stream.indirect.gather @p0 [hbm4b:s7+s21], $0x40, s16, s21, $0xb8;
	[tilespmem:$0x10400] =	vst v63  }
0x79: {  	s16 =	simm.s32 @p0 $0x6  }
0x7a: {  	_ =	swait.ge @p0 [sflag:s16], $0x80  }
0x7b: {  	[sflag:s16] =	ssyncset.done @p0 $0x0  }
0x7c: {  	[sflag:s16] =	ssyncadd.s32 @p0 $0xFFFFFF80;
	s16 =	simm.s32 @!p0 $0x15  }
0x7d: {  	_ =	swait.ge @!p0 [sflag:s16], $0x2000  }
0x7e: {  	[sflag:s16] =	ssyncset.done @!p0 $0x0  }
0x7f: {  	s17 =	simm.s32 @!p0 $0x8400;
	[sflag:s16] =	ssyncadd.s32 @!p0 $0xFFFFE000;
	s16 =	simm.s32 @!p0 $0x200  }
0x80: {  	[tilespmem:s17], [sflag:$0xD] =	stream.indirect.gather @!p0 [hbm4b:s7+s15], $0x40, s16, s15, $0xb8;
	[tilespmem:$0x10400] =	vst v63  }
0x81: {  	s16 =	simm.s32 @!p0 $0x6  }
0x82: {  	_ =	swait.ge @!p0 [sflag:s16], $0x80  }
0x83: {  	[sflag:s16] =	ssyncset.done @!p0 $0x0  }
0x84: {  	[sflag:s16] =	ssyncadd.s32 @!p0 $0xFFFFFF80;
	s16 =	simm.s32 @!p0 $0x16  }
0x85: {  	_ =	swait.ge @!p0 [sflag:s16], $0x2000  }
0x86: {  	[sflag:s16] =	ssyncset.done @!p0 $0x0  }
0x87: {  	s18 =	simm.s32 $0x280;
	[sflag:s16] =	ssyncadd.s32 @!p0 $0xFFFFE000  }
0x88: {  	[tilespmem:s9], [sflag:$0xE] =	stream.indirect.gather [hbm4b:s7+s25], $0x40, s18, s25, $0xb8;
	[tilespmem:$0x10400] =	vst v63  }
0x89: {  	_ =	swait.ge [sflag:s10], $0x80  }
0x8a: {  	[sflag:s10] =	ssyncset.done $0x0  }
0x8b: {  	s17 =	simm.s32 @p0 $0xC400;
	s16 =	simm.s32 @p0 $0x300;
	[sflag:s10] =	ssyncadd.s32 $0xFFFFFF80  }
0x8c: {  	[tilespmem:s17], [sflag:$0xF] =	stream.indirect.gather @p0 [hbm4b:s7+s21], $0x40, s16, s21, $0xb8;
	[tilespmem:$0x10400] =	vst v63  }
0x8d: {  	s16 =	simm.s32 @p0 $0x8  }
0x8e: {  	_ =	swait.ge @p0 [sflag:s16], $0x80  }
0x8f: {  	[sflag:s16] =	ssyncset.done @p0 $0x0  }
0x90: {  	[sflag:s16] =	ssyncadd.s32 @p0 $0xFFFFFF80;
	s16 =	simm.s32 @!p0 $0x17  }
0x91: {  	_ =	swait.ge @!p0 [sflag:s16], $0x2000  }
0x92: {  	[sflag:s16] =	ssyncset.done @!p0 $0x0  }
0x93: {  	s17 =	simm.s32 @!p0 $0xC400;
	[sflag:s16] =	ssyncadd.s32 @!p0 $0xFFFFE000;
	s16 =	simm.s32 @!p0 $0x300  }
0x94: {  	[tilespmem:s17], [sflag:$0xF] =	stream.indirect.gather @!p0 [hbm4b:s7+s15], $0x40, s16, s15, $0xb8;
	[tilespmem:$0x10400] =	vst v63  }
0x95: {  	s15 =	simm.s32 @!p0 $0x8  }
0x96: {  	_ =	swait.ge @!p0 [sflag:s15], $0x80  }
0x97: {  	[sflag:s15] =	ssyncset.done @!p0 $0x0  }
0x98: {  	[sflag:s15] =	ssyncadd.s32 @!p0 $0xFFFFFF80;
	s15 =	simm.s32 @!p0 $0x18  }
0x99: {  	_ =	swait.ge @!p0 [sflag:s15], $0x2000  }
0x9a: {  	[sflag:s15] =	ssyncset.done @!p0 $0x0  }
0x9b: {  	[sflag:s15] =	ssyncadd.s32 @!p0 $0xFFFFE000  }
0x9c: {  	[tilespmem:s11], [sflag:$0x10] =	stream.indirect.gather [hbm4b:s7+s25], $0x40, s2, s25, $0xb8;
	[tilespmem:$0x10400] =	vst v63  }
0x9d: {  	_ =	swait.ge [sflag:s12], $0x2000  }
0x9e: {  	[sflag:s12] =	ssyncset.done $0x0  }
0x9f: {  	s16 =	simm.s32 $0x400;
	p0 =	seq.s32 s5, $0x3C00;
	[sflag:s12] =	ssyncadd.s32 $0xFFFFE000  }
0xa0: {  	[hbm4b:s3+s4] =	stream.linear.scatter [tilespmem:s16], [sflag:$0x11], $0x2000, $0x38;
	[tilespmem:$0x10400] =	vst v63  }
0xa1: {  	s15 =	smov.u32 s5;
	s21 =	simm.s32 @!p0 $0x0  }
0xa2: {  	[tilespmem:s21], [sflag:$0x1] =	stream.linear.gather @!p0 [hbm4b:s13+s21], $0x80, $0x38;
	[tilespmem:$0x10400] =	vst v63  }
0xa3: {  	s15 =	simm.s32 @p0 $0x3C00;
	_ =	swait.ge [sflag:s14], $0x2000  }
0xa4: {  	s17 =	sadd.s32 s15, s19;
	[sflag:s14] =	ssyncset.done $0x0  }
0xa5: {  	s16 =	sshll.u32 s17, $0x3;
	s18 =	rddreg [dreg:$0x2]  }
0xa6: {  	s16 =	sadd.s32 s18, s16  }
0xa7: {  	[sflag:s14] =	ssyncadd.s32 $0xFFFFE000;
	s17 =	sadd.s32 $0x400, s16  }
0xa8: {  	[hbm4b:s17+s4] =	stream.linear.scatter [tilespmem:s26], [sflag:$0x12], $0x2000, $0x38;
	[tilespmem:$0x10400] =	vst v63  }
0xa9: {  	s17 =	rddreg [dreg:$0xc]  }
0xaa: {  	s17 =	sadd.s32 @!p0 s15, s17  }
0xab: {  	s17 =	sshrl.u32 @!p0 s17, $0x3  }
0xac: {  	s18 =	simm.s32 @!p0 $0x80;
	s17 =	sadd.s32 @!p0 s1, s17  }
0xad: {  	[tilespmem:s18], [sflag:$0x2] =	stream.linear.gather @!p0 [hbm4b:s17+s21], $0x80, $0x38;
	[tilespmem:$0x10400] =	vst v63  }
0xae: {  	_ =	swait.ge [sflag:s22], $0x2000  }
0xaf: {  	[sflag:s22] =	ssyncset.done $0x0  }
0xb0: {  	s17 =	sadd.s32 $0x800, s16;
	s18 =	simm.s32 $0x4400;
	[sflag:s22] =	ssyncadd.s32 $0xFFFFE000  }
0xb1: {  	[hbm4b:s17+s4] =	stream.linear.scatter [tilespmem:s18], [sflag:$0x13], $0x2000, $0x38;
	[tilespmem:$0x10400] =	vst v63  }
0xb2: {  	s17 =	rddreg [dreg:$0xd]  }
0xb3: {  	s17 =	sadd.s32 @!p0 s15, s17  }
0xb4: {  	s17 =	sshrl.u32 @!p0 s17, $0x3  }
0xb5: {  	s18 =	simm.s32 @!p0 $0x100;
	s17 =	sadd.s32 @!p0 s1, s17  }
0xb6: {  	[tilespmem:s18], [sflag:$0x3] =	stream.linear.gather @!p0 [hbm4b:s17+s21], $0x80, $0x38;
	[tilespmem:$0x10400] =	vst v63  }
0xb7: {  	_ =	swait.ge [sflag:s24], $0x2000  }
0xb8: {  	[sflag:s24] =	ssyncset.done $0x0;
	s17 =	rddreg [dreg:$0xe]  }
0xb9: {  	s18 =	sadd.s32 $0xC00, s16;
	[sflag:s24] =	ssyncadd.s32 $0xFFFFE000;
	s17 =	sadd.s32 @!p0 s15, s17  }
0xba: {  	[hbm4b:s18+s4] =	stream.linear.scatter [tilespmem:s31], [sflag:$0x14], $0x2000, $0x38;
	[tilespmem:$0x10400] =	vst v63  }
0xbb: {  	s17 =	sshrl.u32 @!p0 s17, $0x3  }
0xbc: {  	s18 =	simm.s32 @!p0 $0x180;
	s17 =	sadd.s32 @!p0 s1, s17  }
0xbd: {  	[tilespmem:s18], [sflag:$0x4] =	stream.linear.gather @!p0 [hbm4b:s17+s21], $0x80, $0x38;
	[tilespmem:$0x10400] =	vst v63  }
0xbe: {  	_ =	swait.ge [sflag:s6], $0x2000  }
0xbf: {  	[sflag:s6] =	ssyncset.done $0x0  }
0xc0: {  	s17 =	sadd.s32 $0x1000, s16;
	s18 =	simm.s32 $0x8400;
	[sflag:s6] =	ssyncadd.s32 $0xFFFFE000  }
0xc1: {  	[hbm4b:s17+s4] =	stream.linear.scatter [tilespmem:s18], [sflag:$0x15], $0x2000, $0x38;
	[tilespmem:$0x10400] =	vst v63  }
0xc2: {  	s17 =	rddreg [dreg:$0xf]  }
0xc3: {  	s17 =	sadd.s32 @!p0 s15, s17  }
0xc4: {  	s17 =	sshrl.u32 @!p0 s17, $0x3  }
0xc5: {  	s18 =	simm.s32 @!p0 $0x200;
	s17 =	sadd.s32 @!p0 s1, s17  }
0xc6: {  	[tilespmem:s18], [sflag:$0x5] =	stream.linear.gather @!p0 [hbm4b:s17+s21], $0x80, $0x38;
	[tilespmem:$0x10400] =	vst v63  }
0xc7: {  	_ =	swait.ge [sflag:s28], $0x2000  }
0xc8: {  	[sflag:s28] =	ssyncset.done $0x0;
	s17 =	rddreg [dreg:$0x10]  }
0xc9: {  	s18 =	sadd.s32 $0x1400, s16;
	[sflag:s28] =	ssyncadd.s32 $0xFFFFE000;
	s17 =	sadd.s32 @!p0 s15, s17  }
0xca: {  	[hbm4b:s18+s4] =	stream.linear.scatter [tilespmem:s9], [sflag:$0x16], $0x2000, $0x38;
	[tilespmem:$0x10400] =	vst v63  }
0xcb: {  	s17 =	sshrl.u32 @!p0 s17, $0x3  }
0xcc: {  	s18 =	simm.s32 @!p0 $0x280;
	s17 =	sadd.s32 @!p0 s1, s17  }
0xcd: {  	[tilespmem:s18], [sflag:$0x6] =	stream.linear.gather @!p0 [hbm4b:s17+s21], $0x80, $0x38;
	[tilespmem:$0x10400] =	vst v63  }
0xce: {  	_ =	swait.ge [sflag:s30], $0x2000  }
0xcf: {  	[sflag:s30] =	ssyncset.done $0x0  }
0xd0: {  	s17 =	sadd.s32 $0x1800, s16;
	s18 =	simm.s32 $0xC400;
	[sflag:s30] =	ssyncadd.s32 $0xFFFFE000  }
0xd1: {  	[hbm4b:s17+s4] =	stream.linear.scatter [tilespmem:s18], [sflag:$0x17], $0x2000, $0x38;
	[tilespmem:$0x10400] =	vst v63  }
0xd2: {  	s17 =	sadd.s32 @!p0 s15, s20  }
0xd3: {  	s17 =	sshrl.u32 @!p0 s17, $0x3  }
0xd4: {  	s18 =	simm.s32 @!p0 $0x300;
	s17 =	sadd.s32 @!p0 s1, s17  }
0xd5: {  	[tilespmem:s18], [sflag:$0x7] =	stream.linear.gather @!p0 [hbm4b:s17+s21], $0x80, $0x38;
	[tilespmem:$0x10400] =	vst v63  }
.Ltmp2:
0xd6: {  	_ = 	snop;
	(pc) =	sbr.rel @p0 .LBB2_4-.Ltmp2, $4  }
0xd7: {  	_ =	swait.ge [sflag:s23], $0x2000  }
0xd8: {  	[sflag:s23] =	ssyncset.done $0x0  }
0xd9: {  	s16 =	sadd.s32 $0x1C00, s16;
	[sflag:s23] =	ssyncadd.s32 $0xFFFFE000  }
0xda: {  	[hbm4b:s16+s4] =	stream.linear.scatter [tilespmem:s11], [sflag:$0x18], $0x2000, $0x38;
	[tilespmem:$0x10400] =	vst v63  }
.Ltmp3:
0xdb: {  	s16 =	rddreg [dreg:$0x11];
	(pc) =	sbr.rel .LBB2_2-.Ltmp3, $4  }
0xdc: {  	s15 =	sadd.s32 s15, s16  }
0xdd: {  	s5 =	sadd.s32 $0x400, s5;
	s15 =	sshrl.u32 s15, $0x3  }
0xde: {  	s13 =	sadd.s32 $0x80, s13;
	s3 =	sadd.s32 $0x2000, s3;
	s15 =	sadd.s32 s1, s15  }
0xdf: {  	[tilespmem:s2], [sflag:$0x8] =	stream.linear.gather [hbm4b:s15+s4], $0x80, $0x38;
	[tilespmem:$0x10400] =	vst v63  }
.LBB2_5:
0xe0: {  	_ =	sfence.sel $0x180000  }
0xe1: {  	[bflag:$0x0] =	sbarrier.arrive $0xFFFF  }
0xe2: {  	_ =	strace $0x90000047  }
0xe3: {  	s0 =	stileid.u32;
	[bflag:$0x2] =	sbarrier.arrive $0xFFFF  }
0xe4: {  	p0 =	sne.s32 s0, $0x0;
	s0 =	rddreg [dreg:$0x3]  }
0xe5: {  	s0 =	sadd.s32 @!p0 $0x100000, s0  }
0xe6: {  	[sflag:s0] =	ssyncadd.tile.s32 @!p0 $0x1;
	_ =	shalt  }
.Lfunc_end2:
_tile_overlayer_lowered:
.L_overlay_start_2:
0xe7: {  	(tag) =	ssettag $0x2  }
0xe8: {  	s0 =	rddreg [dreg:$0x0];
	s2 =	stileid.u32  }
0xe9: {  	s1 =	rddreg [dreg:$0x1];
	p0 =	sne.s32 s2, $0x0  }
0xea: {  	s3 =	rddreg [dreg:$0x2];
	[bflag:$0x3] =	sbarrier.arrive $0xFFFF;
	s2 =	simm.s32 @!p0 $0x1C19  }
0xeb: {  	[timem:s3], [sflag:s2] =	dma.local @!p0 [hbm:s0], s1  }
0xec: {  	s0 =	simm.s32 @!p0 $0x19  }
0xed: {  	_ =	swait.ge @!p0 [sflag:s0], s1  }
0xee: {  	s1 =	ssub.s32 @!p0 $0x0, s1;
	[sflag:s0] =	ssyncset.done @!p0 $0x0  }
0xef: {  	[sflag:s0] =	ssyncadd.s32 @!p0 s1  }
0xf0: {  	[bflag:$0x3] =	sbarrier.arrive $0xFFFF  }
0xf1: {  	_ =	shalt  }

// kernel: sparse-core-data-format-call.cloned.1.call-start
scs
called_computation_lowered:
.L_overlay_start_0:
0x0: {  	s2 =	sld [smem:$0x3FD9]  }
0x1: {  	s3 =	sld [smem:$0x3FFE];
	_ =	sdelay $0x1  }
0x2: {  	s1 =	srdreg.scid  }
0x3: {  	s0 =	sand.u32 $0x1, s1  }
0x4: {  	s15 =	sshll.u32 s0, $0xA;
	s2 =	sadd.s32 s3, s2  }
0x5: {  	s2 =	sadd.s32 s2, s15  }
0x6: {  	[smem:$0x3FC5] =	sst s2  }
0x7: {  	_ = 	snop  }
0x8: {  	s2 =	sld [smem:$0x3FD0];
	_ =	sdelay $0x2  }
0x9: {  	s16 =	simm.s32 $0xA;
	s4 =	simm.s32 $0x10  }
0xa: {  	[smem:s4], [sflag:s16] =	dma.local [hbm:s2], $0x1  }
0xb: {  	_ =	swait.eq [sflag:s16], $0x1  }
0xc: {  	[sflag:s16] =	ssyncset.done $0x0  }
0xd: {  	[sflag:s16] =	ssyncadd.s32 $0xFFFFFFFF  }
0xe: {  	s17 =	sld [smem:$0x10];
	(tm) =	ssettm $0x1  }
0xf: {  	s18 =	sld [smem:$0x3FFB];
	_ =	sdelay $0x3  }
0x10: {  	_ =	strace s18  }
0x11: {  	s3 =	sld [smem:$0x3FFC];
	_ =	sdelay $0x3  }
0x12: {  	_ =	strace s3  }
0x13: {  	s3 =	sld [smem:$0x3FFD];
	_ =	sdelay $0x3  }
0x14: {  	_ =	strace s3  }
0x15: {  	_ =	strace $0x8FFFFFFF  }
0x16: {  	s19 =	sld [smem:$0x3FDB];
	_ =	sdelay $0x1  }
0x17: {  	s20 =	simm.s32 $_scs_section_size  }
0x18: {  	s5 =	simm.s32 $_size__tile_overlayer_lowered;
	s6 =	simm.s32 $_tile_overlayer_lowered  }
0x19: {  	s23 =	simm.s32 $0x1BFF;
	s22 =	sshll.u32 s6, $0x1;
	s3 =	sadd.s32 s20, s19  }
0x1a: {  	s7 =	simm.s32 $0x0;
	s21 =	sshll.u32 s5, $0x1;
	s5 =	sadd.s32 s22, s3  }
0x1b: {  	[timem:s7], [sflag:s23] =	dma.local [hbm:s5], s21  }
0x1c: {  	_ =	swait.ge [sflag:s23], s21  }
0x1d: {  	s4 =	ssub.s32 $0x0, s21;
	[sflag:s23] =	ssyncset.done $0x0  }
0x1e: {  	[sflag:s23] =	ssyncadd.s32 s4;
	_ =	sdelay $0x1  }
0x1f: {  	s24 =	simm.s32 $0x1B8B  }
0x20: {  	_ =	swait.ge [sflag:s24], $0x1  }
0x21: {  	[sflag:s24] =	ssyncset.done $0x0  }
0x22: {  	s26 =	simm.s32 $0x1B8E;
	s25 =	sld [smem:$0x3FFE];
	[sflag:s24] =	ssyncadd.s32 $0xFFFFFFFF  }
0x23: {  	s27 =	simm.s32 $execute0_lowered;
	[smem:$0x3FD2] =	sst s26  }
0x24: {  	s5 =	sshll.u32 s27, $0x1;
	_ =	strace $0x80000049;
	[dreg:$0x1] =	wrdreg $0xFFFFFFFF  }
0x25: {  	s28 =	simm.s32 $_size_execute0_lowered;
	s3 =	sadd.s32 s3, s5;
	[dreg:$0x0] =	wrdreg $0x0  }
0x26: {  	s5 =	sshll.u32 s28, $0x1;
	[dreg:$0x2] =	wrdreg s3  }
0x27: {  	[dreg:$0x3] =	wrdreg s5  }
0x28: {  	[dreg:$0x4] =	wrdreg $0xC0  }
0x29: {  	_ =	task [dreg:s7], $0x5FFFF  }
0x2a: {  	[dreg:$0x1] =	wrdreg $0xFFFFFFFF  }
0x2b: {  	[dreg:$0x0] =	wrdreg $0x60  }
0x2c: {  	[dreg:$0x2] =	wrdreg s25  }
0x2d: {  	[dreg:$0x3] =	wrdreg s17  }
0x2e: {  	[dreg:$0x4] =	wrdreg $0x9  }
0x2f: {  	_ =	task.clear_ibuf [dreg:s7], $0x5FFFF;
	_ =	strace $0x90000049  }
0x30: {  	s29 =	simm.s32 $0x9;
	_ =	strace $0x8000004B  }
0x31: {  	_ =	swait.ge [sflag:s29], $0x1  }
0x32: {  	[sflag:s29] =	ssyncadd.s32 $0xFFFFFFFF  }
0x33: {  	_ =	strace $0x9000004B  }
0x34: {  	_ =	sfence  }
0x35: {  	s30 =	sld [smem:$0x0];
	_ =	sdelay $0x2  }
0x36: {  	s31 =	sshll.u32 s1, $0xD;
	s1 =	sshrl.u32 s1, $0x2  }
0x37: {  	s3 =	sand.u32 $0x4000, s31;
	s1 =	sadd.s32 s1, s30  }
0x38: {  	s0 =	sor.u32 s3, s0;
	s1 =	sshll.u32 s1, $0x11  }
0x39: {  	s0 =	sor.u32 s1, s0  }
0x3a: {  	s0 =	sadd.s32 $0x8F2B, s0  }
0x3b: {  	[sflag:s0] =	ssyncadd.remote.s32 $0x1  }
0x3c: {  	_ =	sfence.sel $0xFFFF  }
0x3d: {  	[dreg:$0x0] =	wrdreg $0xFFFFFFFF;
	(pc) =	sbr.abs _section_cstart, $3  }
0x3e: {  	[dreg:$0x1] =	wrdreg $0xFFFFFFFF  }
0x3f: {  	_ =	task.clear_ibuf [dreg:s7], $0x2FFFF;
	_ =	strace $0x9FFFFFFF  }
0x40: {  	(tm) =	ssettm $0x7FFFFFFF  }
0x41: {  	_ =	shalt  }
tec
execute0_lowered:
.L_overlay_start_1:
0x0: {  	(tag) =	ssettag $0x1  }
0x1: {  	s0 =	srdreg.scid  }
0x2: {  	s1 =	sshll.u32 s0, $0x4  }
0x3: {  	s4 =	rddreg [dreg:$0x0];
	s0 =	stileid.u32;
	s1 =	sand.u32 $0x10, s1  }
0x4: {  	s2 =	rddreg [dreg:$0x1];
	s7 =	simm.s32 $0x1;
	s1 =	sor.u32 s0, s1  }
0x5: {  	s8 =	simm.s32 $0x2;
	s11 =	simm.s32 $0x0;
	s3 =	sshll.u32 s1, $0x1  }
0x6: {  	s10 =	simm.s32 $0x0;
	s4 =	sadd.s32 $0xA00, s4;
	s6 =	ssub.s32 $0x1000, s3  }
.Ltmp0:
0x7: {  	s1 =	rddreg [dreg:$0x2];
	s5 =	sand.u32 $0x3E, s6;
	(pc) =	sbr.rel .LBB1_1-.Ltmp0, $4  }
0x8: {  	_ =	strace $0x8000004A;
	s9 =	smov.u32 s3;
	p0 =	sne.s32 s5, $0x0  }
0x9: {  	s6 =	sshrl.u32 s6, $0x6;
	s5 =	simm.s32 $0x1;
	s7 =	simm.s32 @!p0 $0x0  }
0xa: {  	[sflag:s5] =	ssyncpa.u1 $0x0;
	p0 =	por $0x0, $0x0;
	s6 =	sadd.s32 s7, s6  }
0xb: {  	[sflag:s8] =	ssyncpa.u1 $0x0;
	s8 =	simm.s32 $0x0;
	s7 =	sadd.s32 $0x1, s6  }
.LBB1_7:
0xc: {  	s13 =	sadd.s32 $0x40, s9  }
0xd: {  	p2 =	sgt.s32 s13, $0xFFF  }
0xe: {  	s13 =	smov.u32 @p2 s3;
	p2 =	sne.s32 s10, s7  }
.Ltmp1:
0xf: {  	p1 =	slt.u32 s10, $0x2;
	(pc) =	sbr.rel @!p2 .LBB1_8-.Ltmp1, $4  }
0x10: {  	s12 =	simm.s32 @!p1 $0x2  }
0x11: {  	s14 =	sadd.s32 $0x1, s10;
	_ =	swait.ge @!p1 [sflag:s12], $0x4000  }
0x12: {  	s11 =	smov.u32 s9;
	p0 =	por !p0, !p0;
	[sflag:s12] =	ssyncset.done @!p1 $0x0  }
0x13: {  	s10 =	smov.u32 s14;
	s9 =	smov.u32 s13;
	[sflag:s12] =	ssyncadd.s32 @!p1 $0xFFFFC000  }
.LBB1_1:
0x14: {  	p1 =	sge.u32 s10, s6  }
0x15: {  	s31 =	sadd.s32 $0xFFFFFFFF, s10;
	s12 =	sxor.u32 @!p1 $0xFFFFFFFF, s10  }
0x16: {  	s13 =	sshll.u32 @!p1 s9, $0xB;
	s14 =	simm.s32 @!p1 $0x40;
	s12 =	sshll.u32 @!p1 s12, $0xE  }
0x17: {  	s15 =	simm.s32 @!p1 $0x80;
	s13 =	sadd.s32 @!p1 s4, s13;
	s12 =	sand.u32 @!p1 $0x4000, s12  }
0x18: {  	[tilespmem:s12], [sflag:$0x1] =	stream.strided.gather @!p1 [hbm4b:s13+s14], $0x4000, s15, s14, $0x38;
	[tilespmem:$0x10100] =	vst v63  }
0x19: {  	p1 =	sge.u32 s31, s6  }
.Ltmp2:
0x1a: {  	_ = 	snop;
	(pc) =	sbr.rel @p1 .LBB1_7-.Ltmp2, $1  }
0x1b: {  	_ =	sdelay $0x3  }
0x1c: {  	s12 =	simm.s32 $0x1;
	s14 =	sand.u32 $0x1, s10  }
0x1d: {  	_ =	swait.ge [sflag:s5], $0x4000;
	s12 =	simm.s32 @!p0 $0x0;
	s14 =	smul.u32 $0x10200, s14  }
0x1e: {  	p2 =	por $0x1, $0x1;
	[sflag:s5] =	ssyncset.done $0x0;
	s13 =	smul.u32 $0x10200, s12  }
0x1f: {  	s15 =	sshll.u32 s12, $0x10;
	[sflag:s5] =	ssyncadd.s32 $0xFFFFC000;
	s30 =	sshrl.u32 s14, $0x2  }
0x20: {  	s31 =	sshrl.u32 s15, $0x2;
	s15 =	simm.s32 $0x0;
	s13 =	sshrl.u32 s13, $0x2  }
0x21: {  	s12 =	sor.u32 $0x8000, s30;
	s14 =	sadd.s32 $0x20, s31;
	s13 =	sor.u32 $0x8000, s13  }
.LBB1_3:
0x22: {  	s16 =	sshll.u32 s15, $0xD  }
0x23: {  	s16 =	sand.u32 $0x3FFFE000, s16  }
0x24: {  	s18 =	sadd.s32 s16, s14  }
0x25: {  	s31 =	smul.u32 $0x8100, s15;
	v3 =	vld [tilespmem:s18+$0x10]  }
0x26: {  	v1 =	vld [tilespmem:s18+$0xFFFFFFF0]  }
0x27: {  	s15 =	sshra.s32 s31, $0x2;
	v0 =	vld [tilespmem:s18+$0x0]  }
0x28: {  	s15 =	sadd.s32 s15, s13;
	v2 =	vld [tilespmem:s18+$0xFFFFFFE0]  }
0x29: {  	s16 =	sadd.s32 $0x0, s15  }
0x2a: {  	p1 =	por p2, p2;
	s17 =	simm.s32 $0x4;
	s18 =	sadd.s32 $0x40, s18;
	[tilespmem:s16+$0x1830 ss:$0x81] =	vst.msk $0xffff, v3  }
.LBB1_4:
0x2b: {  	v3 =	vld [tilespmem:s18+$0x10];
	p2 =	sne.s32 s17, $0x1FC;
	[tilespmem:s16+$0x810 ss:$0x81] =	vst.msk $0xffff, v1;
	s19 =	smov.u32 s17;
	s17 =	sadd.s32 $0x4, s17  }
.Ltmp3:
0x2c: {  	v1 =	vld [tilespmem:s18+$0xFFFFFFF0];
	[tilespmem:s16+$0x1020 ss:$0x81] =	vst.msk $0xffff, v0;
	(pc) =	sbr.rel @p2 .LBB1_4-.Ltmp3, $4  }
0x2d: {  	v0 =	vld [tilespmem:s18+$0x0];
	[tilespmem:s16+$0x0 ss:$0x81] =	vst.msk $0xffff, v2  }
0x2e: {  	s16 =	sshra.s32 s19, $0x2;
	v2 =	vld [tilespmem:s18+$0xFFFFFFE0]  }
0x2f: {  	s16 =	sadd.s32 s16, s15  }
0x30: {  	s18 =	sadd.s32 $0x40, s18;
	[tilespmem:s16+$0x1830 ss:$0x81] =	vst.msk $0xffff, v3  }
.Ltmp4:
0x31: {  	(pc) =	sbr.rel @p1 .LBB1_3-.Ltmp4, $4  }
0x32: {  	_ = 	snop  }
0x33: {  	[tilespmem:s16+$0x810 ss:$0x81] =	vst.msk $0xffff, v1  }
0x34: {  	[tilespmem:s16+$0x1020 ss:$0x81] =	vst.msk $0xffff, v0  }
0x35: {  	s15 =	simm.s32 $0x1;
	p2 =	por $0x0, $0x0;
	[tilespmem:s16+$0x0 ss:$0x81] =	vst.msk $0xffff, v2  }
.Ltmp5:
0x36: {  	(pc) =	sbr.rel .LBB1_7-.Ltmp5, $4  }
0x37: {  	_ = 	snop  }
0x38: {  	s11 =	sshll.u32 s11, $0xA  }
0x39: {  	s11 =	sadd.s32 s2, s11  }
0x3a: {  	[hbm4b:s11+s8] =	stream.linear.scatter [tilespmem:s12], [sflag:$0x2], $0x4000, $0x20;
	[tilespmem:$0x10100] =	vst v63  }
.LBB1_8:
0x3b: {  	_ =	sfence.sel $0x180000  }
0x3c: {  	s2 =	simm.s32 $0x1;
	[bflag:$0x0] =	sbarrier.arrive $0xFFFF  }
0x3d: {  	s31 =	simm.s32 $0x2;
	[sflag:s2] =	ssyncpa.u1 $0x1  }
0x3e: {  	[sflag:s31] =	ssyncpa.u1 $0x1  }
0x3f: {  	p0 =	sne.s32 s0, $0x0;
	_ =	strace $0x9000004A  }
0x40: {  	s0 =	sadd.s32 @!p0 $0x100000, s1;
	[bflag:$0x2] =	sbarrier.arrive $0xFFFF  }
0x41: {  	[sflag:s0] =	ssyncadd.tile.s32 @!p0 $0x1;
	_ =	shalt  }
.Lfunc_end1:
_tile_overlayer_lowered:
.L_overlay_start_2:
0x42: {  	(tag) =	ssettag $0x2  }
0x43: {  	s0 =	rddreg [dreg:$0x0];
	s2 =	stileid.u32  }
0x44: {  	s1 =	rddreg [dreg:$0x1];
	p0 =	sne.s32 s2, $0x0  }
0x45: {  	s3 =	rddreg [dreg:$0x2];
	[bflag:$0x3] =	sbarrier.arrive $0xFFFF;
	s2 =	simm.s32 @!p0 $0x1C01  }
0x46: {  	[timem:s3], [sflag:s2] =	dma.local @!p0 [hbm:s0], s1  }
0x47: {  	s0 =	simm.s32 @!p0 $0x1  }
0x48: {  	_ =	swait.ge @!p0 [sflag:s0], s1  }
0x49: {  	s1 =	ssub.s32 @!p0 $0x0, s1;
	[sflag:s0] =	ssyncset.done @!p0 $0x0  }
0x4a: {  	[sflag:s0] =	ssyncadd.s32 @!p0 s1  }
0x4b: {  	[bflag:$0x3] =	sbarrier.arrive $0xFFFF  }
0x4c: {  	_ =	shalt  }

</sc_bundles>
